<compile_context>
chip_gen: v7x
topology: tpu7x:2x2x1
jax: 0.10.2.dev20260603
libtpu: 0.0.44.dev20260713+nightly
codegen_flags: <defaults>
</compile_context>

<pallas_src>
import functools

import jax
import jax.numpy as jnp
from jax import lax
from jax.experimental import pallas as pl
from jax.experimental.pallas import tpu as pltpu
from jax.experimental.pallas import tpu_sc as plsc

_VOCAB = 49152
_HIDDEN = 2048
_BATCH = 4
_SEQ = 4096
_NW = 32
_SEQ_PER_W = _SEQ * _BATCH // _NW
_CHUNK = 16
_NBUF = 2
_NCHUNK = _SEQ_PER_W // _CHUNK
_NGROUP = _NCHUNK // _NBUF


def _emb_lookup(idx, table):
    mesh = plsc.VectorSubcoreMesh(core_axis_name="c", subcore_axis_name="s")

    @functools.partial(
        pl.kernel,
        mesh=mesh,
        out_type=jax.ShapeDtypeStruct((_SEQ, _BATCH, _HIDDEN), jnp.float32),
        scratch_types=[
            pltpu.VMEM((_SEQ_PER_W,), jnp.int32),
            pltpu.VMEM((_CHUNK, _HIDDEN), jnp.float32),
            pltpu.VMEM((_CHUNK, _HIDDEN), jnp.float32),
            pltpu.SemaphoreType.DMA,
            pltpu.SemaphoreType.DMA,
        ],
    )
    def body(idx_hbm, table_hbm, out_hbm, idx_v, buf0, buf1, sem0, sem1):
        wid = lax.axis_index("s") * 2 + lax.axis_index("c")
        b = wid & (_BATCH - 1)
        s_base = (wid >> 2) * _SEQ_PER_W
        s_start = pl.multiple_of(s_base, _SEQ_PER_W)
        pltpu.sync_copy(idx_hbm.at[b, pl.ds(s_start, _SEQ_PER_W)], idx_v)
        bufs = (buf0, buf1)
        sems = (sem0, sem1)

        def gather(chunk, slot):
            return pltpu.make_async_copy(
                table_hbm.at[idx_v.at[pl.ds(chunk * _CHUNK, _CHUNK)]],
                bufs[slot], sems[slot])

        def drain(chunk, slot):
            gather(chunk, slot).wait()
            pltpu.sync_copy(
                bufs[slot],
                out_hbm.at[pl.ds(s_start + chunk * _CHUNK, _CHUNK), b])

        for slot in range(_NBUF):
            gather(slot, slot).start()

        def group_body(g, carry):
            for slot in range(_NBUF):
                chunk = g * _NBUF + slot
                drain(chunk, slot)
                gather(chunk + _NBUF, slot).start()
            return carry

        lax.fori_loop(0, _NGROUP - 1, group_body, 0)

        for slot in range(_NBUF):
            drain((_NGROUP - 1) * _NBUF + slot, slot)

    return body(idx, table)


def kernel(input_ids, input_mask, token_embedding_weight):
    del input_mask
    return _emb_lookup(input_ids.astype(jnp.int32), token_embedding_weight)

# --- scband reference (transcript-rebuilt; emitter-appended) ---
"""Pipeline reference for scband-embedding-79096117723526 (READ-ONLY COPY).

The authoritative reference and input builder live on the scoring server;
editing this copy changes nothing except your own understanding.
"""

import jax, jax.numpy as jnp
import numpy as np

VOCAB = 49152
HIDDEN = 2048
BATCH = 4
SEQ = 4096

def setup_inputs(seed: int = 0) -> dict:
    key = jax.random.key(seed)
    k_ids, k_tab = jax.random.split(key)
    input_ids = jax.random.randint(k_ids, (BATCH, SEQ), 0, VOCAB, dtype=jnp.int64 if jax.config.jax_enable_x64 else jnp.int32)
    input_mask = jnp.ones((BATCH, SEQ), dtype=jnp.bool_)
    # learned embedding table, init like nn.Embedding (normal(0,1))
    token_embedding_weight = jax.random.normal(k_tab, (VOCAB, HIDDEN), dtype=jnp.float32)
    return {"input_ids": input_ids, "input_mask": input_mask, "token_embedding_weight": token_embedding_weight}

def reference(input_ids, input_mask, token_embedding_weight):
    # forward: input_ids [B, S] -> transpose to [S, B] -> embed -> [S, B, H]
    ids_t = jnp.transpose(input_ids, (1, 0))
    input_embeds = jnp.take(token_embedding_weight, ids_t, axis=0)
    return input_embeds

if __name__ == "__main__":
    import jax
    _d = setup_inputs()
    print(jax.jit(kernel)(*tuple(_d.values())))

</pallas_src>

<mosaic_0001>
#map = affine_map<(d0, d1) -> (0, 0)>
#map1 = affine_map<(d0, d1) -> (0, 0, 0)>
module attributes {stable_mosaic.version = 14 : i64} {
  func.func @body(%arg0: i32, %arg1: i32, %arg2: memref<4x4096xi32, #tpu.memory_space<hbm>>, %arg3: memref<49152x2048xf32, #tpu.memory_space<hbm>>, %arg4: memref<4096x4x2048xf32, #tpu.memory_space<hbm>>, %arg5: memref<512xi32, #tpu.memory_space<vmem>>, %arg6: memref<16x2048xf32, #tpu.memory_space<vmem>>, %arg7: memref<16x2048xf32, #tpu.memory_space<vmem>>, %arg8: memref<!tpu.dma_semaphore, #tpu.memory_space<semaphore_mem>>, %arg9: memref<!tpu.dma_semaphore, #tpu.memory_space<semaphore_mem>>) attributes {dimension_semantics = [#tpu.dimension_semantics<core_parallel>, #tpu.dimension_semantics<subcore_parallel>], iteration_bounds = array<i64: 2, 16>, scalar_prefetch = 0 : i64, scratch_operands = 5 : i64, tpu.core_type = #tpu.core_type<sc_vector_subcore>, window_params = [{transform_indices = #map}, {transform_indices = #map}, {transform_indices = #map1}]} {
    %mul3A = arith.constant 2 : i32
    %mul3A_0 = arith.muli %arg1, %mul3A : i32
    %add3A = arith.addi %mul3A_0, %arg0 : i32
    %and3A = arith.constant 3 : i32
    %and3A_1 = arith.andi %add3A, %and3A : i32
    %shift_right_arithmetic3A = arith.constant 2 : i32
    %shift_right_arithmetic3A_2 = arith.shrsi %add3A, %shift_right_arithmetic3A : i32
    %mul3A_3 = arith.constant 512 : i32
    %mul3A_4 = arith.muli %shift_right_arithmetic3A_2, %mul3A_3 : i32
    %multiple_of3A = tpu.assume_multiple %mul3A_4, 512 : i32
    "tpu.region"() ({
      %run_scoped3A = tpu.sem_alloc : memref<!tpu.dma_semaphore, #tpu.memory_space<semaphore_mem>>
      %dma_start3A_32 = tpu.memref_slice %arg2[%and3A_1, %multiple_of3A] : memref<4x4096xi32, #tpu.memory_space<hbm>> -> memref<1x512xi32, #tpu.memory_space<hbm>>
      %dma_start3A_33 = tpu.memref_squeeze %dma_start3A_32 : memref<1x512xi32, #tpu.memory_space<hbm>> -> memref<512xi32, #tpu.memory_space<hbm>>
      %dma_start3A_34 = tpu.memref_slice %arg2[%and3A_1, %multiple_of3A] : memref<4x4096xi32, #tpu.memory_space<hbm>> -> memref<1x512xi32, #tpu.memory_space<hbm>>
      %dma_start3A_35 = tpu.memref_squeeze %dma_start3A_34 : memref<1x512xi32, #tpu.memory_space<hbm>> -> memref<512xi32, #tpu.memory_space<hbm>>
      tpu.enqueue_dma source(%dma_start3A_35 : memref<512xi32, #tpu.memory_space<hbm>>) target(%arg5 : memref<512xi32, #tpu.memory_space<vmem>>) target_semaphore(%run_scoped3A : memref<!tpu.dma_semaphore, #tpu.memory_space<semaphore_mem>>)
      %dma_wait3A_36 = tpu.memref_slice %arg2[%and3A_1, %multiple_of3A] : memref<4x4096xi32, #tpu.memory_space<hbm>> -> memref<1x512xi32, #tpu.memory_space<hbm>>
      %dma_wait3A_37 = tpu.memref_squeeze %dma_wait3A_36 : memref<1x512xi32, #tpu.memory_space<hbm>> -> memref<512xi32, #tpu.memory_space<hbm>>
      %dma_wait3A_38 = tpu.memref_slice %arg2[%and3A_1, %multiple_of3A] : memref<4x4096xi32, #tpu.memory_space<hbm>> -> memref<1x512xi32, #tpu.memory_space<hbm>>
      %dma_wait3A_39 = tpu.memref_squeeze %dma_wait3A_38 : memref<1x512xi32, #tpu.memory_space<hbm>> -> memref<512xi32, #tpu.memory_space<hbm>>
      tpu.wait_dma2 semaphore(%run_scoped3A : memref<!tpu.dma_semaphore, #tpu.memory_space<semaphore_mem>>) src(%dma_wait3A_39 : memref<512xi32, #tpu.memory_space<hbm>>) dst(%arg5 : memref<512xi32, #tpu.memory_space<vmem>>)
      tpu.yield
    }) : () -> ()
    %dma_start3A = arith.constant 0 : i32
    %dma_start3A_5 = tpu.memref_slice %arg5[%dma_start3A] : memref<512xi32, #tpu.memory_space<vmem>> -> memref<16xi32, #tpu.memory_space<vmem>>
    %dma_start3A_6 = arith.constant 0 : i32
    %dma_start3A_7 = arith.constant 0 : i32
    %dma_start3A_8 = tpu.memref_slice %arg3[%dma_start3A_6, %dma_start3A_7] : memref<49152x2048xf32, #tpu.memory_space<hbm>> -> memref<49152x2048xf32, #tpu.memory_space<hbm>>
    tpu.enqueue_indirect_dma source(%dma_start3A_8 : memref<49152x2048xf32, #tpu.memory_space<hbm>>) target(%arg6 : memref<16x2048xf32, #tpu.memory_space<vmem>>) offsets(%dma_start3A_5 : memref<16xi32, #tpu.memory_space<vmem>>) semaphore(%arg8 : memref<!tpu.dma_semaphore, #tpu.memory_space<semaphore_mem>>)
    %dma_start3A_9 = arith.constant 16 : i32
    %dma_start3A_10 = tpu.memref_slice %arg5[%dma_start3A_9] : memref<512xi32, #tpu.memory_space<vmem>> -> memref<16xi32, #tpu.memory_space<vmem>>
    %dma_start3A_11 = arith.constant 0 : i32
    %dma_start3A_12 = arith.constant 0 : i32
    %dma_start3A_13 = tpu.memref_slice %arg3[%dma_start3A_11, %dma_start3A_12] : memref<49152x2048xf32, #tpu.memory_space<hbm>> -> memref<49152x2048xf32, #tpu.memory_space<hbm>>
    tpu.enqueue_indirect_dma source(%dma_start3A_13 : memref<49152x2048xf32, #tpu.memory_space<hbm>>) target(%arg7 : memref<16x2048xf32, #tpu.memory_space<vmem>>) offsets(%dma_start3A_10 : memref<16xi32, #tpu.memory_space<vmem>>) semaphore(%arg9 : memref<!tpu.dma_semaphore, #tpu.memory_space<semaphore_mem>>)
    %scan3A = arith.constant 0 : i32
    %scan3A_14 = arith.constant 0 : i32
    %scan3A_15 = arith.constant 15 : i32
    %scan3A_16 = arith.addi %scan3A_14, %scan3A_15 : i32
    %scan3A_17 = arith.constant 1 : i32
    scf.for %scan3A_32 = %scan3A_14 to %scan3A_16 step %scan3A_17  : i32 {
      %mul3A_33 = arith.constant 2 : i32
      %mul3A_34 = arith.muli %scan3A_32, %mul3A_33 : i32
      %add3A_35 = arith.constant 0 : i32
      %add3A_36 = arith.addi %mul3A_34, %add3A_35 : i32
      %mul3A_37 = arith.constant 16 : i32
      %mul3A_38 = arith.muli %add3A_36, %mul3A_37 : i32
      %dma_wait3A_39 = tpu.memref_slice %arg5[%mul3A_38] : memref<512xi32, #tpu.memory_space<vmem>> -> memref<16xi32, #tpu.memory_space<vmem>>
      %dma_wait3A_40 = arith.constant 0 : i32
      %dma_wait3A_41 = arith.constant 0 : i32
      %dma_wait3A_42 = tpu.memref_slice %arg3[%dma_wait3A_40, %dma_wait3A_41] : memref<49152x2048xf32, #tpu.memory_space<hbm>> -> memref<49152x2048xf32, #tpu.memory_space<hbm>>
      tpu.wait_indirect_dma semaphore(%arg8 : memref<!tpu.dma_semaphore, #tpu.memory_space<semaphore_mem>>) src(%dma_wait3A_42 : memref<49152x2048xf32, #tpu.memory_space<hbm>>) dst(%arg6 : memref<16x2048xf32, #tpu.memory_space<vmem>>)
      %mul3A_43 = arith.constant 16 : i32
      %mul3A_44 = arith.muli %add3A_36, %mul3A_43 : i32
      %add3A_45 = arith.addi %multiple_of3A, %mul3A_44 : i32
      "tpu.region"() ({
        %run_scoped3A = tpu.sem_alloc : memref<!tpu.dma_semaphore, #tpu.memory_space<semaphore_mem>>
        %dma_start3A_75 = arith.constant 0 : i32
        %dma_start3A_76 = tpu.memref_slice %arg4[%add3A_45, %and3A_1, %dma_start3A_75] : memref<4096x4x2048xf32, #tpu.memory_space<hbm>> -> memref<16x1x2048xf32, #tpu.memory_space<hbm>>
        %dma_start3A_77 = tpu.memref_squeeze %dma_start3A_76 : memref<16x1x2048xf32, #tpu.memory_space<hbm>> -> memref<16x2048xf32, #tpu.memory_space<hbm>>
        %dma_start3A_78 = arith.constant 0 : i32
        %dma_start3A_79 = tpu.memref_slice %arg4[%add3A_45, %and3A_1, %dma_start3A_78] : memref<4096x4x2048xf32, #tpu.memory_space<hbm>> -> memref<16x1x2048xf32, #tpu.memory_space<hbm>>
        %dma_start3A_80 = tpu.memref_squeeze %dma_start3A_79 : memref<16x1x2048xf32, #tpu.memory_space<hbm>> -> memref<16x2048xf32, #tpu.memory_space<hbm>>
        tpu.enqueue_dma source(%arg6 : memref<16x2048xf32, #tpu.memory_space<vmem>>) target(%dma_start3A_80 : memref<16x2048xf32, #tpu.memory_space<hbm>>) target_semaphore(%run_scoped3A : memref<!tpu.dma_semaphore, #tpu.memory_space<semaphore_mem>>)
        %dma_wait3A_81 = arith.constant 0 : i32
        %dma_wait3A_82 = tpu.memref_slice %arg4[%add3A_45, %and3A_1, %dma_wait3A_81] : memref<4096x4x2048xf32, #tpu.memory_space<hbm>> -> memref<16x1x2048xf32, #tpu.memory_space<hbm>>
        %dma_wait3A_83 = tpu.memref_squeeze %dma_wait3A_82 : memref<16x1x2048xf32, #tpu.memory_space<hbm>> -> memref<16x2048xf32, #tpu.memory_space<hbm>>
        %dma_wait3A_84 = arith.constant 0 : i32
        %dma_wait3A_85 = tpu.memref_slice %arg4[%add3A_45, %and3A_1, %dma_wait3A_84] : memref<4096x4x2048xf32, #tpu.memory_space<hbm>> -> memref<16x1x2048xf32, #tpu.memory_space<hbm>>
        %dma_wait3A_86 = tpu.memref_squeeze %dma_wait3A_85 : memref<16x1x2048xf32, #tpu.memory_space<hbm>> -> memref<16x2048xf32, #tpu.memory_space<hbm>>
        tpu.wait_dma2 semaphore(%run_scoped3A : memref<!tpu.dma_semaphore, #tpu.memory_space<semaphore_mem>>) src(%arg6 : memref<16x2048xf32, #tpu.memory_space<vmem>>) dst(%dma_wait3A_86 : memref<16x2048xf32, #tpu.memory_space<hbm>>)
        tpu.yield
      }) : () -> ()
      %add3A_46 = arith.constant 2 : i32
      %add3A_47 = arith.addi %add3A_36, %add3A_46 : i32
      %mul3A_48 = arith.constant 16 : i32
      %mul3A_49 = arith.muli %add3A_47, %mul3A_48 : i32
      %dma_start3A_50 = tpu.memref_slice %arg5[%mul3A_49] : memref<512xi32, #tpu.memory_space<vmem>> -> memref<16xi32, #tpu.memory_space<vmem>>
      %dma_start3A_51 = arith.constant 0 : i32
      %dma_start3A_52 = arith.constant 0 : i32
      %dma_start3A_53 = tpu.memref_slice %arg3[%dma_start3A_51, %dma_start3A_52] : memref<49152x2048xf32, #tpu.memory_space<hbm>> -> memref<49152x2048xf32, #tpu.memory_space<hbm>>
      tpu.enqueue_indirect_dma source(%dma_start3A_53 : memref<49152x2048xf32, #tpu.memory_space<hbm>>) target(%arg6 : memref<16x2048xf32, #tpu.memory_space<vmem>>) offsets(%dma_start3A_50 : memref<16xi32, #tpu.memory_space<vmem>>) semaphore(%arg8 : memref<!tpu.dma_semaphore, #tpu.memory_space<semaphore_mem>>)
      %mul3A_54 = arith.constant 2 : i32
      %mul3A_55 = arith.muli %scan3A_32, %mul3A_54 : i32
      %add3A_56 = arith.constant 1 : i32
      %add3A_57 = arith.addi %mul3A_55, %add3A_56 : i32
      %mul3A_58 = arith.constant 16 : i32
      %mul3A_59 = arith.muli %add3A_57, %mul3A_58 : i32
      %dma_wait3A_60 = tpu.memref_slice %arg5[%mul3A_59] : memref<512xi32, #tpu.memory_space<vmem>> -> memref<16xi32, #tpu.memory_space<vmem>>
      %dma_wait3A_61 = arith.constant 0 : i32
      %dma_wait3A_62 = arith.constant 0 : i32
      %dma_wait3A_63 = tpu.memref_slice %arg3[%dma_wait3A_61, %dma_wait3A_62] : memref<49152x2048xf32, #tpu.memory_space<hbm>> -> memref<49152x2048xf32, #tpu.memory_space<hbm>>
      tpu.wait_indirect_dma semaphore(%arg9 : memref<!tpu.dma_semaphore, #tpu.memory_space<semaphore_mem>>) src(%dma_wait3A_63 : memref<49152x2048xf32, #tpu.memory_space<hbm>>) dst(%arg7 : memref<16x2048xf32, #tpu.memory_space<vmem>>)
      %mul3A_64 = arith.constant 16 : i32
      %mul3A_65 = arith.muli %add3A_57, %mul3A_64 : i32
      %add3A_66 = arith.addi %multiple_of3A, %mul3A_65 : i32
      "tpu.region"() ({
        %run_scoped3A = tpu.sem_alloc : memref<!tpu.dma_semaphore, #tpu.memory_space<semaphore_mem>>
        %dma_start3A_75 = arith.constant 0 : i32
        %dma_start3A_76 = tpu.memref_slice %arg4[%add3A_66, %and3A_1, %dma_start3A_75] : memref<4096x4x2048xf32, #tpu.memory_space<hbm>> -> memref<16x1x2048xf32, #tpu.memory_space<hbm>>
        %dma_start3A_77 = tpu.memref_squeeze %dma_start3A_76 : memref<16x1x2048xf32, #tpu.memory_space<hbm>> -> memref<16x2048xf32, #tpu.memory_space<hbm>>
        %dma_start3A_78 = arith.constant 0 : i32
        %dma_start3A_79 = tpu.memref_slice %arg4[%add3A_66, %and3A_1, %dma_start3A_78] : memref<4096x4x2048xf32, #tpu.memory_space<hbm>> -> memref<16x1x2048xf32, #tpu.memory_space<hbm>>
        %dma_start3A_80 = tpu.memref_squeeze %dma_start3A_79 : memref<16x1x2048xf32, #tpu.memory_space<hbm>> -> memref<16x2048xf32, #tpu.memory_space<hbm>>
        tpu.enqueue_dma source(%arg7 : memref<16x2048xf32, #tpu.memory_space<vmem>>) target(%dma_start3A_80 : memref<16x2048xf32, #tpu.memory_space<hbm>>) target_semaphore(%run_scoped3A : memref<!tpu.dma_semaphore, #tpu.memory_space<semaphore_mem>>)
        %dma_wait3A_81 = arith.constant 0 : i32
        %dma_wait3A_82 = tpu.memref_slice %arg4[%add3A_66, %and3A_1, %dma_wait3A_81] : memref<4096x4x2048xf32, #tpu.memory_space<hbm>> -> memref<16x1x2048xf32, #tpu.memory_space<hbm>>
        %dma_wait3A_83 = tpu.memref_squeeze %dma_wait3A_82 : memref<16x1x2048xf32, #tpu.memory_space<hbm>> -> memref<16x2048xf32, #tpu.memory_space<hbm>>
        %dma_wait3A_84 = arith.constant 0 : i32
        %dma_wait3A_85 = tpu.memref_slice %arg4[%add3A_66, %and3A_1, %dma_wait3A_84] : memref<4096x4x2048xf32, #tpu.memory_space<hbm>> -> memref<16x1x2048xf32, #tpu.memory_space<hbm>>
        %dma_wait3A_86 = tpu.memref_squeeze %dma_wait3A_85 : memref<16x1x2048xf32, #tpu.memory_space<hbm>> -> memref<16x2048xf32, #tpu.memory_space<hbm>>
        tpu.wait_dma2 semaphore(%run_scoped3A : memref<!tpu.dma_semaphore, #tpu.memory_space<semaphore_mem>>) src(%arg7 : memref<16x2048xf32, #tpu.memory_space<vmem>>) dst(%dma_wait3A_86 : memref<16x2048xf32, #tpu.memory_space<hbm>>)
        tpu.yield
      }) : () -> ()
      %add3A_67 = arith.constant 2 : i32
      %add3A_68 = arith.addi %add3A_57, %add3A_67 : i32
      %mul3A_69 = arith.constant 16 : i32
      %mul3A_70 = arith.muli %add3A_68, %mul3A_69 : i32
      %dma_start3A_71 = tpu.memref_slice %arg5[%mul3A_70] : memref<512xi32, #tpu.memory_space<vmem>> -> memref<16xi32, #tpu.memory_space<vmem>>
      %dma_start3A_72 = arith.constant 0 : i32
      %dma_start3A_73 = arith.constant 0 : i32
      %dma_start3A_74 = tpu.memref_slice %arg3[%dma_start3A_72, %dma_start3A_73] : memref<49152x2048xf32, #tpu.memory_space<hbm>> -> memref<49152x2048xf32, #tpu.memory_space<hbm>>
      tpu.enqueue_indirect_dma source(%dma_start3A_74 : memref<49152x2048xf32, #tpu.memory_space<hbm>>) target(%arg7 : memref<16x2048xf32, #tpu.memory_space<vmem>>) offsets(%dma_start3A_71 : memref<16xi32, #tpu.memory_space<vmem>>) semaphore(%arg9 : memref<!tpu.dma_semaphore, #tpu.memory_space<semaphore_mem>>)
    }
    %scan3A_18 = arith.constant 15 : i32
    %dma_wait3A = arith.constant 480 : i32
    %dma_wait3A_19 = tpu.memref_slice %arg5[%dma_wait3A] : memref<512xi32, #tpu.memory_space<vmem>> -> memref<16xi32, #tpu.memory_space<vmem>>
    %dma_wait3A_20 = arith.constant 0 : i32
    %dma_wait3A_21 = arith.constant 0 : i32
    %dma_wait3A_22 = tpu.memref_slice %arg3[%dma_wait3A_20, %dma_wait3A_21] : memref<49152x2048xf32, #tpu.memory_space<hbm>> -> memref<49152x2048xf32, #tpu.memory_space<hbm>>
    tpu.wait_indirect_dma semaphore(%arg8 : memref<!tpu.dma_semaphore, #tpu.memory_space<semaphore_mem>>) src(%dma_wait3A_22 : memref<49152x2048xf32, #tpu.memory_space<hbm>>) dst(%arg6 : memref<16x2048xf32, #tpu.memory_space<vmem>>)
    %add3A_23 = arith.constant 480 : i32
    %add3A_24 = arith.addi %multiple_of3A, %add3A_23 : i32
    "tpu.region"() ({
      %run_scoped3A = tpu.sem_alloc : memref<!tpu.dma_semaphore, #tpu.memory_space<semaphore_mem>>
      %dma_start3A_32 = arith.constant 0 : i32
      %dma_start3A_33 = tpu.memref_slice %arg4[%add3A_24, %and3A_1, %dma_start3A_32] : memref<4096x4x2048xf32, #tpu.memory_space<hbm>> -> memref<16x1x2048xf32, #tpu.memory_space<hbm>>
      %dma_start3A_34 = tpu.memref_squeeze %dma_start3A_33 : memref<16x1x2048xf32, #tpu.memory_space<hbm>> -> memref<16x2048xf32, #tpu.memory_space<hbm>>
      %dma_start3A_35 = arith.constant 0 : i32
      %dma_start3A_36 = tpu.memref_slice %arg4[%add3A_24, %and3A_1, %dma_start3A_35] : memref<4096x4x2048xf32, #tpu.memory_space<hbm>> -> memref<16x1x2048xf32, #tpu.memory_space<hbm>>
      %dma_start3A_37 = tpu.memref_squeeze %dma_start3A_36 : memref<16x1x2048xf32, #tpu.memory_space<hbm>> -> memref<16x2048xf32, #tpu.memory_space<hbm>>
      tpu.enqueue_dma source(%arg6 : memref<16x2048xf32, #tpu.memory_space<vmem>>) target(%dma_start3A_37 : memref<16x2048xf32, #tpu.memory_space<hbm>>) target_semaphore(%run_scoped3A : memref<!tpu.dma_semaphore, #tpu.memory_space<semaphore_mem>>)
      %dma_wait3A_38 = arith.constant 0 : i32
      %dma_wait3A_39 = tpu.memref_slice %arg4[%add3A_24, %and3A_1, %dma_wait3A_38] : memref<4096x4x2048xf32, #tpu.memory_space<hbm>> -> memref<16x1x2048xf32, #tpu.memory_space<hbm>>
      %dma_wait3A_40 = tpu.memref_squeeze %dma_wait3A_39 : memref<16x1x2048xf32, #tpu.memory_space<hbm>> -> memref<16x2048xf32, #tpu.memory_space<hbm>>
      %dma_wait3A_41 = arith.constant 0 : i32
      %dma_wait3A_42 = tpu.memref_slice %arg4[%add3A_24, %and3A_1, %dma_wait3A_41] : memref<4096x4x2048xf32, #tpu.memory_space<hbm>> -> memref<16x1x2048xf32, #tpu.memory_space<hbm>>
      %dma_wait3A_43 = tpu.memref_squeeze %dma_wait3A_42 : memref<16x1x2048xf32, #tpu.memory_space<hbm>> -> memref<16x2048xf32, #tpu.memory_space<hbm>>
      tpu.wait_dma2 semaphore(%run_scoped3A : memref<!tpu.dma_semaphore, #tpu.memory_space<semaphore_mem>>) src(%arg6 : memref<16x2048xf32, #tpu.memory_space<vmem>>) dst(%dma_wait3A_43 : memref<16x2048xf32, #tpu.memory_space<hbm>>)
      tpu.yield
    }) : () -> ()
    %dma_wait3A_25 = arith.constant 496 : i32
    %dma_wait3A_26 = tpu.memref_slice %arg5[%dma_wait3A_25] : memref<512xi32, #tpu.memory_space<vmem>> -> memref<16xi32, #tpu.memory_space<vmem>>
    %dma_wait3A_27 = arith.constant 0 : i32
    %dma_wait3A_28 = arith.constant 0 : i32
    %dma_wait3A_29 = tpu.memref_slice %arg3[%dma_wait3A_27, %dma_wait3A_28] : memref<49152x2048xf32, #tpu.memory_space<hbm>> -> memref<49152x2048xf32, #tpu.memory_space<hbm>>
    tpu.wait_indirect_dma semaphore(%arg9 : memref<!tpu.dma_semaphore, #tpu.memory_space<semaphore_mem>>) src(%dma_wait3A_29 : memref<49152x2048xf32, #tpu.memory_space<hbm>>) dst(%arg7 : memref<16x2048xf32, #tpu.memory_space<vmem>>)
    %add3A_30 = arith.constant 496 : i32
    %add3A_31 = arith.addi %multiple_of3A, %add3A_30 : i32
    "tpu.region"() ({
      %run_scoped3A = tpu.sem_alloc : memref<!tpu.dma_semaphore, #tpu.memory_space<semaphore_mem>>
      %dma_start3A_32 = arith.constant 0 : i32
      %dma_start3A_33 = tpu.memref_slice %arg4[%add3A_31, %and3A_1, %dma_start3A_32] : memref<4096x4x2048xf32, #tpu.memory_space<hbm>> -> memref<16x1x2048xf32, #tpu.memory_space<hbm>>
      %dma_start3A_34 = tpu.memref_squeeze %dma_start3A_33 : memref<16x1x2048xf32, #tpu.memory_space<hbm>> -> memref<16x2048xf32, #tpu.memory_space<hbm>>
      %dma_start3A_35 = arith.constant 0 : i32
      %dma_start3A_36 = tpu.memref_slice %arg4[%add3A_31, %and3A_1, %dma_start3A_35] : memref<4096x4x2048xf32, #tpu.memory_space<hbm>> -> memref<16x1x2048xf32, #tpu.memory_space<hbm>>
      %dma_start3A_37 = tpu.memref_squeeze %dma_start3A_36 : memref<16x1x2048xf32, #tpu.memory_space<hbm>> -> memref<16x2048xf32, #tpu.memory_space<hbm>>
      tpu.enqueue_dma source(%arg7 : memref<16x2048xf32, #tpu.memory_space<vmem>>) target(%dma_start3A_37 : memref<16x2048xf32, #tpu.memory_space<hbm>>) target_semaphore(%run_scoped3A : memref<!tpu.dma_semaphore, #tpu.memory_space<semaphore_mem>>)
      %dma_wait3A_38 = arith.constant 0 : i32
      %dma_wait3A_39 = tpu.memref_slice %arg4[%add3A_31, %and3A_1, %dma_wait3A_38] : memref<4096x4x2048xf32, #tpu.memory_space<hbm>> -> memref<16x1x2048xf32, #tpu.memory_space<hbm>>
      %dma_wait3A_40 = tpu.memref_squeeze %dma_wait3A_39 : memref<16x1x2048xf32, #tpu.memory_space<hbm>> -> memref<16x2048xf32, #tpu.memory_space<hbm>>
      %dma_wait3A_41 = arith.constant 0 : i32
      %dma_wait3A_42 = tpu.memref_slice %arg4[%add3A_31, %and3A_1, %dma_wait3A_41] : memref<4096x4x2048xf32, #tpu.memory_space<hbm>> -> memref<16x1x2048xf32, #tpu.memory_space<hbm>>
      %dma_wait3A_43 = tpu.memref_squeeze %dma_wait3A_42 : memref<16x1x2048xf32, #tpu.memory_space<hbm>> -> memref<16x2048xf32, #tpu.memory_space<hbm>>
      tpu.wait_dma2 semaphore(%run_scoped3A : memref<!tpu.dma_semaphore, #tpu.memory_space<semaphore_mem>>) src(%arg7 : memref<16x2048xf32, #tpu.memory_space<vmem>>) dst(%dma_wait3A_43 : memref<16x2048xf32, #tpu.memory_space<hbm>>)
      tpu.yield
    }) : () -> ()
    return
  }
}

</mosaic_0001>

<sc_bundles>
// kernel: kernel.3.cloned.1.call-start
scs
__scs_entry_jumppad:
0x0: {  	(pc) =	sbr.rel $0x88, $3  }
0x1: {  	(tag) =	ssettag $0x0;
	lr =	simm.s32 $0x1  }
0x2: {  	[smem:$0x3F9F] =	sst lr;
	_ =	strace $0xD0000000  }
0x3: {  	_ = 	snop  }
0x4: {  	_ = 	snop  }
0x5: {  	_ = 	snop  }
0x6: {  	_ = 	snop  }
0x7: {  	_ = 	snop  }
__scs_overlays_trampoline_lowered:
0x8: {  	[smem:$0x3FAE] =	sst s0  }
0x9: {  	[smem:$0x3FAF] =	sst s1  }
0xa: {  	[smem:$0x3FB0] =	sst s2  }
0xb: {  	[smem:$0x3FB1] =	sst s3  }
0xc: {  	[smem:$0x3FB2] =	sst s4  }
0xd: {  	[smem:$0x3FB3] =	sst s5  }
0xe: {  	[smem:$0x3FB4] =	sst s6  }
0xf: {  	[smem:$0x3FB5] =	sst s7  }
0x10: {  	[smem:$0x3FB6] =	sst s8  }
0x11: {  	[smem:$0x3FB7] =	sst s9;
	s0 =	simm.s32 @!p0 $0x0  }
0x12: {  	s1 =	sld [smem:$0x3F9D];
	s0 =	simm.s32 @p0 $0x1  }
0x13: {  	[smem:$0x3FB8] =	sst s0;
	s0 =	simm.s32 @!p1 $0x0  }
0x14: {  	s2 =	sld [smem:$0x3F9C];
	s0 =	simm.s32 @p1 $0x1  }
0x15: {  	[smem:$0x3FB9] =	sst s0;
	s0 =	simm.s32 @!p2 $0x0  }
0x16: {  	s3 =	sld [smem:$0x3FDB];
	s0 =	simm.s32 @p2 $0x1  }
0x17: {  	s4 =	simm.s32 $0x1BF5;
	[smem:$0x3FBB] =	sst s0  }
0x18: {  	s0 =	sld [smem:$0x3F9E];
	_ =	swait.ge [sflag:s4], $0x0  }
0x19: {  	s7 =	sld [smem:$0x3F9F]  }
0x1a: {  	s8 =	sadd.s32 $0xFFFFE003, lr  }
0x1b: {  	s9 =	sadd.s32 $0xFFFFFEF7, lr;
	s5 =	simm.s32 $0xFFFFFFFF;
	p2 =	slt.u32 s8, $0xFFFFF086  }
0x1c: {  	p1 =	slt.u32 s9, $0xF7A;
	s5 =	simm.s32 @!p2 $0x0  }
0x1d: {  	s5 =	simm.s32 @p1 $0x1;
	p0 =	seq.s32 s7, s2  }
0x1e: {  	s7 =	smul.u32 @!p0 $0xF7A, s2;
	p2 =	seq.s32 @!p0 s5, $0x0  }
0x1f: {  	s9 =	smul.u32 $0xF7A, s1;
	s8 =	simm.s32 @!p0 $0x1BF5;
	p2 =	por !p2, p0  }
0x20: {  	[sflag:s8] =	ssyncset.s32 @!p0 $0xFFFFF086;
	s6 =	sadd.s32 @!p0 s3, s7;
	s7 =	simm.s32 @!p0 $0x108  }
0x21: {  	s3 =	sadd.s32 s3, s9;
	s6 =	sadd.s32 @!p0 $0x88, s6;
	s7 =	simm.s32 @p2 $0x1082  }
0x22: {  	[simem:s7], [sflag:s8] =	dma.local @!p0 [hbm:s6], $0xF7A  }
0x23: {  	s9 =	sor.u32 $0xD0000000, s2;
	s6 =	simm.s32 $0x108;
	_ =	swait.ge @!p0 [sflag:s8], $0x0  }
0x24: {  	s3 =	sadd.s32 $0x88, s3;
	s6 =	simm.s32 @!p1 $0x1082;
	[sflag:s4] =	ssyncset.s32 $0xFFFFF086  }
0x25: {  	[simem:s6], [sflag:s4] =	dma.local [hbm:s3], $0xF7A  }
0x26: {  	[smem:$0x3F9F] =	sst s1;
	(tag) =	ssettag s2;
	_ =	strace s9  }
0x27: {  	s1 =	sld [smem:$0x3FAF]  }
0x28: {  	s2 =	sld [smem:$0x3FB0]  }
0x29: {  	s4 =	sld [smem:$0x3FB2]  }
0x2a: {  	p0 =	seq.s32 s5, $0x0;
	s5 =	sld [smem:$0x3FB3]  }
0x2b: {  	s6 =	sld [smem:$0x3FB4]  }
0x2c: {  	s7 =	sld [smem:$0x3FB5]  }
0x2d: {  	s3 =	simm.s32 $0x108;
	s8 =	sld [smem:$0x3FB6]  }
0x2e: {  	s3 =	simm.s32 @!p0 $0x1082;
	s9 =	sld [smem:$0x3FB7]  }
0x2f: {  	lr =	sadd.s32 s0, s3;
	s0 =	sld [smem:$0x3FAE]  }
0x30: {  	s3 =	sld [smem:$0x3FB1]  }
0x31: {  	[smem:$0x3FBA] =	sst s10  }
0x32: {  	s10 =	sld [smem:$0x3FB8];
	_ =	sdelay $0x3  }
0x33: {  	p0 =	seq.s32 s10, $0x1;
	s10 =	sld [smem:$0x3FBA];
	_ =	sdelay $0x3  }
0x34: {  	[smem:$0x3FBA] =	sst s10  }
0x35: {  	s10 =	sld [smem:$0x3FB9];
	_ =	sdelay $0x3  }
0x36: {  	p1 =	seq.s32 s10, $0x1;
	s10 =	sld [smem:$0x3FBA];
	_ =	sdelay $0x3  }
0x37: {  	[smem:$0x3FBA] =	sst s10  }
0x38: {  	s10 =	sld [smem:$0x3FBB]  }
0x39: {  	_ = 	snop;
	(pc) =	sbr.ind lr, $3  }
0x3a: {  	_ = 	snop  }
0x3b: {  	_ = 	snop  }
0x3c: {  	p2 =	seq.s32 s10, $0x1;
	s10 =	sld [smem:$0x3FBA]  }
0x3d: {  	_ =	shalt  }
0x3e: {  	_ =	shalt  }
0x3f: {  	_ =	shalt  }
0x40: {  	_ =	shalt  }
0x41: {  	_ =	shalt  }
0x42: {  	_ =	shalt  }
0x43: {  	_ =	shalt  }
0x44: {  	_ =	shalt  }
0x45: {  	_ =	shalt  }
0x46: {  	_ =	shalt  }
0x47: {  	_ =	shalt  }
0x48: {  	_ =	shalt  }
0x49: {  	_ =	shalt  }
0x4a: {  	_ =	shalt  }
0x4b: {  	_ =	shalt  }
0x4c: {  	_ =	shalt  }
0x4d: {  	_ =	shalt  }
0x4e: {  	_ =	shalt  }
0x4f: {  	_ =	shalt  }
0x50: {  	_ =	shalt  }
0x51: {  	_ =	shalt  }
0x52: {  	_ =	shalt  }
0x53: {  	_ =	shalt  }
0x54: {  	_ =	shalt  }
0x55: {  	_ =	shalt  }
0x56: {  	_ =	shalt  }
0x57: {  	_ =	shalt  }
0x58: {  	_ =	shalt  }
0x59: {  	_ =	shalt  }
0x5a: {  	_ =	shalt  }
0x5b: {  	_ =	shalt  }
0x5c: {  	_ =	shalt  }
0x5d: {  	_ =	shalt  }
0x5e: {  	_ =	shalt  }
0x5f: {  	_ =	shalt  }
0x60: {  	_ =	shalt  }
0x61: {  	_ =	shalt  }
0x62: {  	_ =	shalt  }
0x63: {  	_ =	shalt  }
0x64: {  	_ =	shalt  }
0x65: {  	_ =	shalt  }
0x66: {  	_ =	shalt  }
0x67: {  	_ =	shalt  }
0x68: {  	_ =	shalt  }
0x69: {  	_ =	shalt  }
0x6a: {  	_ =	shalt  }
0x6b: {  	_ =	shalt  }
0x6c: {  	_ =	shalt  }
0x6d: {  	_ =	shalt  }
0x6e: {  	_ =	shalt  }
0x6f: {  	_ =	shalt  }
0x70: {  	_ =	shalt  }
0x71: {  	_ =	shalt  }
0x72: {  	_ =	shalt  }
0x73: {  	_ =	shalt  }
0x74: {  	_ =	shalt  }
0x75: {  	_ =	shalt  }
0x76: {  	_ =	shalt  }
0x77: {  	_ =	shalt  }
0x78: {  	_ =	shalt  }
0x79: {  	_ =	shalt  }
0x7a: {  	_ =	shalt  }
0x7b: {  	_ =	shalt  }
0x7c: {  	_ =	shalt  }
0x7d: {  	_ =	shalt  }
0x7e: {  	_ =	shalt  }
0x7f: {  	_ =	shalt  }
0x80: {  	_ =	shalt  }
0x81: {  	_ =	shalt  }
0x82: {  	_ =	shalt  }
0x83: {  	_ =	shalt  }
0x84: {  	_ =	shalt  }
0x85: {  	_ =	shalt  }
0x86: {  	_ =	shalt  }
0x87: {  	_ =	shalt  }
.Lfunc_end0:
.L_simem_size_0:
called_computation_lowered:
.L_overlay_start_0:
0x88: {  	s2 =	sld [smem:$0x3FD9]  }
0x89: {  	s3 =	sld [smem:$0x3FFE];
	_ =	sdelay $0x1  }
0x8a: {  	s1 =	srdreg.scid  }
0x8b: {  	s0 =	sand.u32 $0x1, s1  }
0x8c: {  	s18 =	sshll.u32 s0, $0xA;
	s2 =	sadd.s32 s3, s2  }
0x8d: {  	s2 =	sadd.s32 s2, s18  }
0x8e: {  	[smem:$0x3FC6] =	sst s2  }
0x8f: {  	_ = 	snop  }
0x90: {  	s2 =	sld [smem:$0x3FC9]  }
0x91: {  	s19 =	sld [smem:$0x3FC8]  }
0x92: {  	s4 =	sld [smem:$0x3FD0];
	(tm) =	ssettm $0x1  }
0x93: {  	s5 =	sld [smem:$0x3FFB];
	_ =	sdelay $0x3  }
0x94: {  	_ =	strace s5  }
0x95: {  	s5 =	sld [smem:$0x3FFC];
	_ =	sdelay $0x3  }
0x96: {  	_ =	strace s5  }
0x97: {  	s5 =	sld [smem:$0x3FFD];
	_ =	sdelay $0x3  }
0x98: {  	_ =	strace s5  }
0x99: {  	_ =	strace $0x8FFFFFFF  }
0x9a: {  	s20 =	sld [smem:$0x3FDB];
	_ =	sdelay $0x1  }
0x9b: {  	s6 =	simm.s32 $_scs_section_size  }
0x9c: {  	s7 =	simm.s32 $_size__tile_overlayer_lowered;
	s8 =	simm.s32 $_tile_overlayer_lowered  }
0x9d: {  	s23 =	simm.s32 $0x1BFF;
	s22 =	sshll.u32 s8, $0x1;
	s5 =	sadd.s32 s6, s20  }
0x9e: {  	s9 =	simm.s32 $0x0;
	s21 =	sshll.u32 s7, $0x1;
	s7 =	sadd.s32 s22, s5  }
0x9f: {  	[timem:s9], [sflag:s23] =	dma.local [hbm:s7], s21  }
0xa0: {  	_ =	swait.ge [sflag:s23], s21  }
0xa1: {  	s6 =	ssub.s32 $0x0, s21;
	[sflag:s23] =	ssyncset.done $0x0  }
0xa2: {  	[sflag:s23] =	ssyncadd.s32 s6;
	_ =	sdelay $0x1  }
0xa3: {  	s24 =	simm.s32 $0x1B8B  }
0xa4: {  	_ =	swait.ge [sflag:s24], $0x1  }
0xa5: {  	[sflag:s24] =	ssyncset.done $0x0  }
0xa6: {  	s25 =	simm.s32 $0x1B8E;
	[sflag:s24] =	ssyncadd.s32 $0xFFFFFFFF  }
0xa7: {  	s26 =	simm.s32 $execute0_lowered;
	[smem:$0x3FD2] =	sst s25  }
0xa8: {  	s6 =	sshll.u32 s26, $0x1;
	_ =	strace $0x80000046;
	[dreg:$0x1] =	wrdreg $0xFFFFFFFF  }
0xa9: {  	s28 =	simm.s32 $_size_execute0_lowered;
	s5 =	sadd.s32 s5, s6;
	[dreg:$0x0] =	wrdreg $0x0  }
0xaa: {  	s6 =	sshll.u32 s28, $0x1;
	[dreg:$0x2] =	wrdreg s5  }
0xab: {  	[dreg:$0x3] =	wrdreg s6  }
0xac: {  	[dreg:$0x4] =	wrdreg $0xC0  }
0xad: {  	_ =	task [dreg:s9], $0x5FFFF  }
0xae: {  	[dreg:$0x1] =	wrdreg $0xFFFFFFFF  }
0xaf: {  	[dreg:$0x0] =	wrdreg $0x60  }
0xb0: {  	[dreg:$0x2] =	wrdreg s2  }
0xb1: {  	[dreg:$0x3] =	wrdreg s19  }
0xb2: {  	[dreg:$0x4] =	wrdreg s4  }
0xb3: {  	[dreg:$0x5] =	wrdreg $0x9  }
0xb4: {  	_ =	task.clear_ibuf [dreg:s9], $0x6FFFF;
	_ =	strace $0x90000046  }
0xb5: {  	s29 =	simm.s32 $0x9;
	_ =	strace $0x80000048  }
0xb6: {  	_ =	swait.ge [sflag:s29], $0x1  }
0xb7: {  	[sflag:s29] =	ssyncadd.s32 $0xFFFFFFFF  }
0xb8: {  	_ =	strace $0x90000048  }
0xb9: {  	_ =	sfence  }
0xba: {  	s30 =	sld [smem:$0x0];
	_ =	sdelay $0x2  }
0xbb: {  	s31 =	sshll.u32 s1, $0xD;
	s1 =	sshrl.u32 s1, $0x2  }
0xbc: {  	s3 =	sand.u32 $0x4000, s31;
	s1 =	sadd.s32 s1, s30  }
0xbd: {  	s0 =	sor.u32 s3, s0;
	s1 =	sshll.u32 s1, $0x11  }
0xbe: {  	s0 =	sor.u32 s1, s0  }
0xbf: {  	s0 =	sadd.s32 $0x8F2B, s0  }
0xc0: {  	[sflag:s0] =	ssyncadd.remote.s32 $0x1  }
0xc1: {  	_ =	sfence.sel $0xFFFF  }
0xc2: {  	[dreg:$0x0] =	wrdreg $0xFFFFFFFF;
	(pc) =	sbr.abs _section_cstart, $3  }
0xc3: {  	[dreg:$0x1] =	wrdreg $0xFFFFFFFF  }
0xc4: {  	_ =	task.clear_ibuf [dreg:s9], $0x2FFFF;
	_ =	strace $0x9FFFFFFF  }
0xc5: {  	(tm) =	ssettm $0x7FFFFFFF  }
tec
execute0_lowered:
.L_overlay_start_1:
0x0: {  	(tag) =	ssettag $0x1  }
0x1: {  	s0 =	rddreg [dreg:$0x0]  }
0x2: {  	s2 =	rddreg [dreg:$0x1]  }
0x3: {  	s1 =	srdreg.scid;
	s5 =	stileid.u32  }
0x4: {  	s3 =	rddreg [dreg:$0x2];
	s19 =	simm.s32 $0x80;
	s21 =	simm.s32 $0x3  }
0x5: {  	s23 =	simm.s32 $0xEA00;
	s24 =	simm.s32 $0xF200;
	s28 =	simm.s32 $0x2000  }
0x6: {  	s29 =	simm.s32 $0x2;
	s22 =	simm.s32 $0x200;
	s1 =	sand.u32 $0x1, s1  }
0x7: {  	s4 =	sshll.u32 s5, $0x1;
	s5 =	sshll.u32 s5, $0x8;
	s9 =	sadd.s32 $0x300, s2  }
0x8: {  	s10 =	sadd.s32 $0x400, s2;
	s11 =	sadd.s32 $0x500, s2;
	s12 =	sadd.s32 $0x600, s2  }
0x9: {  	s13 =	sadd.s32 $0x700, s2;
	s6 =	sor.u32 s1, s4;
	s4 =	simm.s32 $0x0  }
0xa: {  	s14 =	sand.u32 $0xE00, s5;
	s1 =	ssub.s32 $0x2, s1;
	s25 =	sshll.u32 s6, $0x7  }
0xb: {  	s7 =	sshll.u32 s14, $0x2;
	[smem:$0x7FF] =	sst s4;
	s8 =	sshrl.u32 s1, $0x1  }
0xc: {  	s26 =	sshll.u32 s6, $0x14;
	s30 =	sshll.u32 s14, $0xD;
	s5 =	sand.u32 $0x180, s25  }
0xd: {  	_ =	strace $0x80000047;
	s1 =	ssub.s32 s1, s8;
	s7 =	sor.u32 s7, s5  }
0xe: {  	s8 =	sadd.s32 $0x200, s2;
	s18 =	sor.u32 $0x20000, s30;
	s7 =	sshrl.u32 s7, $0x3  }
0xf: {  	s25 =	simm.s32 $0xFA00;
	s14 =	sor.u32 s5, s30;
	s0 =	sadd.s32 s0, s7  }
0x10: {  	s31 =	smax.u32 s1, $0x1;
	[dreg:$0x4] =	wrdreg s0;
	s0 =	sor.u32 s26, s5  }
0x11: {  	v2 =	vlaneseq.u32;
	s1 =	simm.s32 $0x0;
	[dreg:$0x5] =	wrdreg s31;
	s0 =	sshrl.u32 s0, $0x3  }
0x12: {  	vm0 =	vmmov $0xffff;
	v1 =	vshrl.u32 v2, $0x3;
	s7 =	sadd.s32 $0x100, s2;
	s15 =	sor.u32 $0x78000, s0;
	s0 =	sor.u32 $0x7C000, s0  }
0x13: {  	v0 =	vand.u32 $0x7, v2;
	v2 =	vor.u32 $0x8, v2;
	v1 =	vmul.u32 $0x8, v1;
	s26 =	simm.s32 $0x1;
	s15 =	sadd.s32 s3, s15;
	s16 =	sadd.s32 s3, s0  }
.LBB2_1:
0x14: {  	[dreg:$0x6] =	wrdreg s1  }
0x15: {  	s0 =	rddreg [dreg:$0x4];
	s6 =	simm.s32 $0x200  }
0x16: {  	[tilespmem:s4], [sflag:$0x3] =	stream.strided.gather [hbm4b:s0+s19], $0x200, s6, s19, $0x38;
	[tilespmem:$0x10200] =	vst v63  }
0x17: {  	_ =	swait.ge [sflag:s21], $0x200  }
0x18: {  	[sflag:s21] =	ssyncset.done $0x0  }
0x19: {  	[sflag:s21] =	ssyncadd.s32 $0xFFFFFE00  }
0x1a: {  	v3 =	vld [tilespmem:$0x0];
	_ =	sdelay $0x4  }
0x1b: {  	v4 =	vshll.u32 v3, $0x4  }
0x1c: {  	v3 =	vand.u32 $0x7, v3;
	v4 =	vand.u32 $0xFFFFFF80, v4  }
0x1d: {  	v3 =	vor.u32 v3, v4  }
0x1e: {  	v4 =	vperm.xlane v3, v0;
	_ =	sdelay $0x1  }
0x1f: {  	v4 =	vadd.s32 v1, v4;
	_ =	sdelay $0x4  }
0x20: {  	[tilespmem:s6], [sflag:$0x1] =	stream.indirect_vreg.gather [hbm4b:s2+s4], $0x80, v4, vm0, $0xb8;
	[tilespmem:$0x10200] =	vst v63  }
0x21: {  	s17 =	simm.s32 $0xA00  }
0x22: {  	[tilespmem:s17], [sflag:$0x1] =	stream.indirect_vreg.gather [hbm4b:s7+s4], $0x80, v4, vm0, $0xb8;
	[tilespmem:$0x10200] =	vst v63  }
0x23: {  	s20 =	simm.s32 $0x1200  }
0x24: {  	[tilespmem:s20], [sflag:$0x1] =	stream.indirect_vreg.gather [hbm4b:s8+s4], $0x80, v4, vm0, $0xb8;
	[tilespmem:$0x10200] =	vst v63  }
0x25: {  	s31 =	simm.s32 $0x1A00  }
0x26: {  	[tilespmem:s31], [sflag:$0x1] =	stream.indirect_vreg.gather [hbm4b:s9+s4], $0x80, v4, vm0, $0xb8;
	[tilespmem:$0x10200] =	vst v63  }
0x27: {  	s1 =	simm.s32 $0x2200  }
0x28: {  	[tilespmem:s1], [sflag:$0x1] =	stream.indirect_vreg.gather [hbm4b:s10+s4], $0x80, v4, vm0, $0xb8;
	[tilespmem:$0x10200] =	vst v63  }
0x29: {  	v3 =	vperm.xlane v3, v2;
	s6 =	simm.s32 $0x2A00  }
0x2a: {  	[tilespmem:s6], [sflag:$0x1] =	stream.indirect_vreg.gather [hbm4b:s11+s4], $0x80, v4, vm0, $0xb8;
	[tilespmem:$0x10200] =	vst v63  }
0x2b: {  	v3 =	vadd.s32 v1, v3;
	s17 =	simm.s32 $0x3200  }
0x2c: {  	[tilespmem:s17], [sflag:$0x1] =	stream.indirect_vreg.gather [hbm4b:s12+s4], $0x80, v4, vm0, $0xb8;
	[tilespmem:$0x10200] =	vst v63  }
0x2d: {  	s20 =	simm.s32 $0x3A00  }
0x2e: {  	[tilespmem:s20], [sflag:$0x1] =	stream.indirect_vreg.gather [hbm4b:s13+s4], $0x80, v4, vm0, $0xb8;
	[tilespmem:$0x10200] =	vst v63  }
0x2f: {  	s31 =	simm.s32 $0x4200  }
0x30: {  	[tilespmem:s31], [sflag:$0x1] =	stream.indirect_vreg.gather [hbm4b:s2+s4], $0x80, v3, vm0, $0xb8;
	[tilespmem:$0x10200] =	vst v63  }
0x31: {  	s1 =	simm.s32 $0x4A00  }
0x32: {  	[tilespmem:s1], [sflag:$0x1] =	stream.indirect_vreg.gather [hbm4b:s7+s4], $0x80, v3, vm0, $0xb8;
	[tilespmem:$0x10200] =	vst v63  }
0x33: {  	s6 =	simm.s32 $0x5200  }
0x34: {  	[tilespmem:s6], [sflag:$0x1] =	stream.indirect_vreg.gather [hbm4b:s8+s4], $0x80, v3, vm0, $0xb8;
	[tilespmem:$0x10200] =	vst v63  }
0x35: {  	s17 =	simm.s32 $0x5A00  }
0x36: {  	[tilespmem:s17], [sflag:$0x1] =	stream.indirect_vreg.gather [hbm4b:s9+s4], $0x80, v3, vm0, $0xb8;
	[tilespmem:$0x10200] =	vst v63  }
0x37: {  	s20 =	simm.s32 $0x6200  }
0x38: {  	[tilespmem:s20], [sflag:$0x1] =	stream.indirect_vreg.gather [hbm4b:s10+s4], $0x80, v3, vm0, $0xb8;
	[tilespmem:$0x10200] =	vst v63  }
0x39: {  	s31 =	simm.s32 $0x6A00  }
0x3a: {  	[tilespmem:s31], [sflag:$0x1] =	stream.indirect_vreg.gather [hbm4b:s11+s4], $0x80, v3, vm0, $0xb8;
	[tilespmem:$0x10200] =	vst v63  }
0x3b: {  	s1 =	simm.s32 $0x7200  }
0x3c: {  	[tilespmem:s1], [sflag:$0x1] =	stream.indirect_vreg.gather [hbm4b:s12+s4], $0x80, v3, vm0, $0xb8;
	[tilespmem:$0x10200] =	vst v63  }
0x3d: {  	s6 =	simm.s32 $0x7A00  }
0x3e: {  	[tilespmem:s6], [sflag:$0x1] =	stream.indirect_vreg.gather [hbm4b:s13+s4], $0x80, v3, vm0, $0xb8;
	[tilespmem:$0x10200] =	vst v63  }
0x3f: {  	v3 =	vld [tilespmem:$0x10];
	_ =	sdelay $0x4  }
0x40: {  	v63 =	vshll.u32 v3, $0x4  }
0x41: {  	v3 =	vand.u32 $0x7, v3;
	v4 =	vand.u32 $0xFFFFFF80, v63  }
0x42: {  	v3 =	vor.u32 v3, v4  }
0x43: {  	v4 =	vperm.xlane v3, v0;
	_ =	sdelay $0x1  }
0x44: {  	v4 =	vadd.s32 v1, v4;
	_ =	sdelay $0x3  }
0x45: {  	s17 =	simm.s32 $0x8200  }
0x46: {  	[tilespmem:s17], [sflag:$0x2] =	stream.indirect_vreg.gather [hbm4b:s2+s4], $0x80, v4, vm0, $0xb8;
	[tilespmem:$0x10200] =	vst v63  }
0x47: {  	s20 =	simm.s32 $0x8A00  }
0x48: {  	[tilespmem:s20], [sflag:$0x2] =	stream.indirect_vreg.gather [hbm4b:s7+s4], $0x80, v4, vm0, $0xb8;
	[tilespmem:$0x10200] =	vst v63  }
0x49: {  	s31 =	simm.s32 $0x9200  }
0x4a: {  	[tilespmem:s31], [sflag:$0x2] =	stream.indirect_vreg.gather [hbm4b:s8+s4], $0x80, v4, vm0, $0xb8;
	[tilespmem:$0x10200] =	vst v63  }
0x4b: {  	s1 =	simm.s32 $0x9A00  }
0x4c: {  	[tilespmem:s1], [sflag:$0x2] =	stream.indirect_vreg.gather [hbm4b:s9+s4], $0x80, v4, vm0, $0xb8;
	[tilespmem:$0x10200] =	vst v63  }
0x4d: {  	s6 =	simm.s32 $0xA200  }
0x4e: {  	[tilespmem:s6], [sflag:$0x2] =	stream.indirect_vreg.gather [hbm4b:s10+s4], $0x80, v4, vm0, $0xb8;
	[tilespmem:$0x10200] =	vst v63  }
0x4f: {  	v3 =	vperm.xlane v3, v2;
	s17 =	simm.s32 $0xAA00  }
0x50: {  	[tilespmem:s17], [sflag:$0x2] =	stream.indirect_vreg.gather [hbm4b:s11+s4], $0x80, v4, vm0, $0xb8;
	[tilespmem:$0x10200] =	vst v63  }
0x51: {  	v3 =	vadd.s32 v1, v3;
	s20 =	simm.s32 $0xB200  }
0x52: {  	[tilespmem:s20], [sflag:$0x2] =	stream.indirect_vreg.gather [hbm4b:s12+s4], $0x80, v4, vm0, $0xb8;
	[tilespmem:$0x10200] =	vst v63  }
0x53: {  	s31 =	simm.s32 $0xBA00  }
0x54: {  	[tilespmem:s31], [sflag:$0x2] =	stream.indirect_vreg.gather [hbm4b:s13+s4], $0x80, v4, vm0, $0xb8;
	[tilespmem:$0x10200] =	vst v63  }
0x55: {  	s1 =	simm.s32 $0xC200  }
0x56: {  	[tilespmem:s1], [sflag:$0x2] =	stream.indirect_vreg.gather [hbm4b:s2+s4], $0x80, v3, vm0, $0xb8;
	[tilespmem:$0x10200] =	vst v63  }
0x57: {  	s6 =	simm.s32 $0xCA00  }
0x58: {  	[tilespmem:s6], [sflag:$0x2] =	stream.indirect_vreg.gather [hbm4b:s7+s4], $0x80, v3, vm0, $0xb8;
	[tilespmem:$0x10200] =	vst v63  }
0x59: {  	s17 =	simm.s32 $0xD200  }
0x5a: {  	[tilespmem:s17], [sflag:$0x2] =	stream.indirect_vreg.gather [hbm4b:s8+s4], $0x80, v3, vm0, $0xb8;
	[tilespmem:$0x10200] =	vst v63  }
0x5b: {  	s20 =	simm.s32 $0xDA00  }
0x5c: {  	[tilespmem:s20], [sflag:$0x2] =	stream.indirect_vreg.gather [hbm4b:s9+s4], $0x80, v3, vm0, $0xb8;
	[tilespmem:$0x10200] =	vst v63  }
0x5d: {  	s31 =	simm.s32 $0xE200  }
0x5e: {  	[tilespmem:s31], [sflag:$0x2] =	stream.indirect_vreg.gather [hbm4b:s10+s4], $0x80, v3, vm0, $0xb8;
	[tilespmem:$0x10200] =	vst v63  }
0x5f: {  	_ = 	snop  }
0x60: {  	[tilespmem:s23], [sflag:$0x2] =	stream.indirect_vreg.gather [hbm4b:s11+s4], $0x80, v3, vm0, $0xb8;
	[tilespmem:$0x10200] =	vst v63  }
0x61: {  	_ = 	snop  }
0x62: {  	[tilespmem:s24], [sflag:$0x2] =	stream.indirect_vreg.gather [hbm4b:s12+s4], $0x80, v3, vm0, $0xb8;
	[tilespmem:$0x10200] =	vst v63  }
0x63: {  	s30 =	simm.s32 $0x0  }
0x64: {  	[tilespmem:s25], [sflag:$0x2] =	stream.indirect_vreg.gather [hbm4b:s13+s4], $0x80, v3, vm0, $0xb8;
	[tilespmem:$0x10200] =	vst v63  }
.LBB2_2:
0x65: {  	s31 =	sshll.u32 s30, $0x12  }
0x66: {  	_ =	swait.ge [sflag:s26], $0x8000;
	s0 =	sadd.s32 s14, s31  }
0x67: {  	p0 =	por $0x1, $0x1;
	[sflag:s26] =	ssyncset.done $0x0;
	s0 =	sshrl.u32 s0, $0x3  }
0x68: {  	[sflag:s26] =	ssyncadd.s32 $0xFFFF8000;
	s1 =	sadd.s32 s3, s0;
	s0 =	simm.s32 $0x0  }
.LBB2_3:
0x69: {  	s6 =	sshll.u32 s0, $0xE  }
0x6a: {  	s17 =	sshll.u32 s0, $0xD;
	s6 =	sand.u32 $0x3FFFC000, s6  }
0x6b: {  	s0 =	sadd.s32 s17, s1;
	s20 =	sor.u32 $0x200, s6  }
0x6c: {  	[hbm4b:s0+s19] =	stream.strided.scatter [tilespmem:s20], [sflag:$0x3], $0x400, s28, s19, $0x38;
	[tilespmem:$0x10200] =	vst v63  }
0x6d: {  	s17 =	sadd.s32 $0x40, s0;
	s20 =	sor.u32 $0x600, s6  }
0x6e: {  	[hbm4b:s17+s19] =	stream.strided.scatter [tilespmem:s20], [sflag:$0x3], $0x400, s28, s19, $0x38;
	[tilespmem:$0x10200] =	vst v63  }
0x6f: {  	s17 =	sor.u32 $0xA00, s6;
	s20 =	sadd.s32 $0x80, s0  }
0x70: {  	[hbm4b:s20+s19] =	stream.strided.scatter [tilespmem:s17], [sflag:$0x3], $0x400, s28, s19, $0x38;
	[tilespmem:$0x10200] =	vst v63  }
0x71: {  	s17 =	sor.u32 $0xE00, s6;
	s20 =	sadd.s32 $0xC0, s0  }
0x72: {  	[hbm4b:s20+s19] =	stream.strided.scatter [tilespmem:s17], [sflag:$0x3], $0x400, s28, s19, $0x38;
	[tilespmem:$0x10200] =	vst v63  }
0x73: {  	s17 =	sor.u32 $0x1200, s6;
	s20 =	sadd.s32 $0x100, s0  }
0x74: {  	[hbm4b:s20+s19] =	stream.strided.scatter [tilespmem:s17], [sflag:$0x3], $0x400, s28, s19, $0x38;
	[tilespmem:$0x10200] =	vst v63  }
0x75: {  	s17 =	sor.u32 $0x1600, s6;
	s20 =	sadd.s32 $0x140, s0  }
0x76: {  	[hbm4b:s20+s19] =	stream.strided.scatter [tilespmem:s17], [sflag:$0x3], $0x400, s28, s19, $0x38;
	[tilespmem:$0x10200] =	vst v63  }
0x77: {  	s17 =	sor.u32 $0x1A00, s6;
	s20 =	sadd.s32 $0x180, s0  }
0x78: {  	[hbm4b:s20+s19] =	stream.strided.scatter [tilespmem:s17], [sflag:$0x3], $0x400, s28, s19, $0x38;
	[tilespmem:$0x10200] =	vst v63  }
0x79: {  	s17 =	sor.u32 $0x1E00, s6;
	s20 =	sadd.s32 $0x1C0, s0  }
0x7a: {  	[hbm4b:s20+s19] =	stream.strided.scatter [tilespmem:s17], [sflag:$0x3], $0x400, s28, s19, $0x38;
	[tilespmem:$0x10200] =	vst v63  }
0x7b: {  	s17 =	sor.u32 $0x2200, s6;
	s20 =	sadd.s32 $0x200, s0  }
0x7c: {  	[hbm4b:s20+s19] =	stream.strided.scatter [tilespmem:s17], [sflag:$0x3], $0x400, s28, s19, $0x38;
	[tilespmem:$0x10200] =	vst v63  }
0x7d: {  	s17 =	sor.u32 $0x2600, s6;
	s20 =	sadd.s32 $0x240, s0  }
0x7e: {  	[hbm4b:s20+s19] =	stream.strided.scatter [tilespmem:s17], [sflag:$0x3], $0x400, s28, s19, $0x38;
	[tilespmem:$0x10200] =	vst v63  }
0x7f: {  	s17 =	sor.u32 $0x2A00, s6;
	s20 =	sadd.s32 $0x280, s0  }
0x80: {  	[hbm4b:s20+s19] =	stream.strided.scatter [tilespmem:s17], [sflag:$0x3], $0x400, s28, s19, $0x38;
	[tilespmem:$0x10200] =	vst v63  }
0x81: {  	s17 =	sor.u32 $0x2E00, s6;
	s20 =	sadd.s32 $0x2C0, s0  }
0x82: {  	[hbm4b:s20+s19] =	stream.strided.scatter [tilespmem:s17], [sflag:$0x3], $0x400, s28, s19, $0x38;
	[tilespmem:$0x10200] =	vst v63  }
0x83: {  	s17 =	sor.u32 $0x3200, s6;
	s20 =	sadd.s32 $0x300, s0  }
0x84: {  	[hbm4b:s20+s19] =	stream.strided.scatter [tilespmem:s17], [sflag:$0x3], $0x400, s28, s19, $0x38;
	[tilespmem:$0x10200] =	vst v63  }
0x85: {  	p1 =	por p0, p0;
	s17 =	sor.u32 $0x3600, s6;
	s20 =	sadd.s32 $0x340, s0  }
0x86: {  	[hbm4b:s20+s19] =	stream.strided.scatter [tilespmem:s17], [sflag:$0x3], $0x400, s28, s19, $0x38;
	[tilespmem:$0x10200] =	vst v63  }
.Ltmp0:
0x87: {  	s17 =	sor.u32 $0x3A00, s6;
	s20 =	sadd.s32 $0x380, s0;
	(pc) =	sbr.rel @p1 .LBB2_3-.Ltmp0, $4  }
0x88: {  	[hbm4b:s20+s19] =	stream.strided.scatter [tilespmem:s17], [sflag:$0x3], $0x400, s28, s19, $0x38;
	[tilespmem:$0x10200] =	vst v63  }
0x89: {  	s6 =	sor.u32 $0x3E00, s6;
	s0 =	sadd.s32 $0x3C0, s0  }
0x8a: {  	[hbm4b:s0+s19] =	stream.strided.scatter [tilespmem:s6], [sflag:$0x3], $0x400, s28, s19, $0x38;
	[tilespmem:$0x10200] =	vst v63  }
0x8b: {  	p0 =	por $0x0, $0x0;
	s0 =	simm.s32 $0x1  }
0x8c: {  	_ =	swait.ge [sflag:s21], $0x8000  }
0x8d: {  	s0 =	sshll.u32 s30, $0x5;
	[sflag:s21] =	ssyncset.done $0x0  }
0x8e: {  	s1 =	sand.u32 $0x3FFFFFE0, s0;
	[sflag:s21] =	ssyncadd.s32 $0xFFFF8000  }
0x8f: {  	v3 =	vld [tilespmem:s1+$0x20];
	_ =	sdelay $0x4  }
0x90: {  	v4 =	vshll.u32 v3, $0x4  }
0x91: {  	v3 =	vand.u32 $0x7, v3;
	v4 =	vand.u32 $0xFFFFFF80, v4  }
0x92: {  	v3 =	vor.u32 v3, v4  }
0x93: {  	v4 =	vperm.xlane v3, v0;
	_ =	sdelay $0x1  }
0x94: {  	v4 =	vadd.s32 v1, v4;
	_ =	sdelay $0x3  }
0x95: {  	s0 =	simm.s32 $0x0  }
0x96: {  	[tilespmem:s22], [sflag:$0x1] =	stream.indirect_vreg.gather [hbm4b:s2+s0], $0x80, v4, vm0, $0xb8;
	[tilespmem:$0x10200] =	vst v63  }
0x97: {  	s6 =	simm.s32 $0xA00  }
0x98: {  	[tilespmem:s6], [sflag:$0x1] =	stream.indirect_vreg.gather [hbm4b:s7+s0], $0x80, v4, vm0, $0xb8;
	[tilespmem:$0x10200] =	vst v63  }
0x99: {  	s20 =	simm.s32 $0x1200  }
0x9a: {  	[tilespmem:s20], [sflag:$0x1] =	stream.indirect_vreg.gather [hbm4b:s8+s0], $0x80, v4, vm0, $0xb8;
	[tilespmem:$0x10200] =	vst v63  }
0x9b: {  	s17 =	simm.s32 $0x1A00  }
0x9c: {  	[tilespmem:s17], [sflag:$0x1] =	stream.indirect_vreg.gather [hbm4b:s9+s0], $0x80, v4, vm0, $0xb8;
	[tilespmem:$0x10200] =	vst v63  }
0x9d: {  	s20 =	simm.s32 $0x2200  }
0x9e: {  	[tilespmem:s20], [sflag:$0x1] =	stream.indirect_vreg.gather [hbm4b:s10+s0], $0x80, v4, vm0, $0xb8;
	[tilespmem:$0x10200] =	vst v63  }
0x9f: {  	v3 =	vperm.xlane v3, v2;
	s17 =	simm.s32 $0x2A00  }
0xa0: {  	[tilespmem:s17], [sflag:$0x1] =	stream.indirect_vreg.gather [hbm4b:s11+s0], $0x80, v4, vm0, $0xb8;
	[tilespmem:$0x10200] =	vst v63  }
0xa1: {  	v3 =	vadd.s32 v1, v3;
	s20 =	simm.s32 $0x3200  }
0xa2: {  	[tilespmem:s20], [sflag:$0x1] =	stream.indirect_vreg.gather [hbm4b:s12+s0], $0x80, v4, vm0, $0xb8;
	[tilespmem:$0x10200] =	vst v63  }
0xa3: {  	s17 =	simm.s32 $0x3A00  }
0xa4: {  	[tilespmem:s17], [sflag:$0x1] =	stream.indirect_vreg.gather [hbm4b:s13+s0], $0x80, v4, vm0, $0xb8;
	[tilespmem:$0x10200] =	vst v63  }
0xa5: {  	s20 =	simm.s32 $0x4200  }
0xa6: {  	[tilespmem:s20], [sflag:$0x1] =	stream.indirect_vreg.gather [hbm4b:s2+s0], $0x80, v3, vm0, $0xb8;
	[tilespmem:$0x10200] =	vst v63  }
0xa7: {  	s17 =	simm.s32 $0x4A00  }
0xa8: {  	[tilespmem:s17], [sflag:$0x1] =	stream.indirect_vreg.gather [hbm4b:s7+s0], $0x80, v3, vm0, $0xb8;
	[tilespmem:$0x10200] =	vst v63  }
0xa9: {  	s20 =	simm.s32 $0x5200  }
0xaa: {  	[tilespmem:s20], [sflag:$0x1] =	stream.indirect_vreg.gather [hbm4b:s8+s0], $0x80, v3, vm0, $0xb8;
	[tilespmem:$0x10200] =	vst v63  }
0xab: {  	s17 =	simm.s32 $0x5A00  }
0xac: {  	[tilespmem:s17], [sflag:$0x1] =	stream.indirect_vreg.gather [hbm4b:s9+s0], $0x80, v3, vm0, $0xb8;
	[tilespmem:$0x10200] =	vst v63  }
0xad: {  	s20 =	simm.s32 $0x6200  }
0xae: {  	[tilespmem:s20], [sflag:$0x1] =	stream.indirect_vreg.gather [hbm4b:s10+s0], $0x80, v3, vm0, $0xb8;
	[tilespmem:$0x10200] =	vst v63  }
0xaf: {  	s17 =	simm.s32 $0x6A00  }
0xb0: {  	[tilespmem:s17], [sflag:$0x1] =	stream.indirect_vreg.gather [hbm4b:s11+s0], $0x80, v3, vm0, $0xb8;
	[tilespmem:$0x10200] =	vst v63  }
0xb1: {  	s20 =	simm.s32 $0x7200  }
0xb2: {  	[tilespmem:s20], [sflag:$0x1] =	stream.indirect_vreg.gather [hbm4b:s12+s0], $0x80, v3, vm0, $0xb8;
	[tilespmem:$0x10200] =	vst v63  }
0xb3: {  	s17 =	simm.s32 $0x7A00;
	s20 =	sadd.s32 s18, s31  }
0xb4: {  	[tilespmem:s17], [sflag:$0x1] =	stream.indirect_vreg.gather [hbm4b:s13+s0], $0x80, v3, vm0, $0xb8;
	[tilespmem:$0x10200] =	vst v63  }
0xb5: {  	s6 =	sor.u32 s5, s20;
	_ =	swait.ge [sflag:s29], $0x8000  }
0xb6: {  	s6 =	sshrl.u32 s6, $0x3;
	[sflag:s29] =	ssyncset.done $0x0  }
0xb7: {  	p0 =	por $0x1, $0x1;
	s31 =	sadd.s32 s3, s6;
	[sflag:s29] =	ssyncadd.s32 $0xFFFF8000  }
.LBB2_5:
0xb8: {  	s6 =	sshll.u32 s0, $0xE  }
0xb9: {  	s20 =	sshll.u32 s0, $0xD;
	s6 =	sand.u32 $0x3FFFC000, s6  }
0xba: {  	s0 =	sadd.s32 s20, s31;
	s17 =	sadd.s32 $0x8200, s6  }
0xbb: {  	[hbm4b:s0+s19] =	stream.strided.scatter [tilespmem:s17], [sflag:$0x3], $0x400, s28, s19, $0x38;
	[tilespmem:$0x10200] =	vst v63  }
0xbc: {  	s20 =	sadd.s32 $0x40, s0;
	s17 =	sadd.s32 $0x8600, s6  }
0xbd: {  	[hbm4b:s20+s19] =	stream.strided.scatter [tilespmem:s17], [sflag:$0x3], $0x400, s28, s19, $0x38;
	[tilespmem:$0x10200] =	vst v63  }
0xbe: {  	s17 =	sadd.s32 $0x8A00, s6;
	s20 =	sadd.s32 $0x80, s0  }
0xbf: {  	[hbm4b:s20+s19] =	stream.strided.scatter [tilespmem:s17], [sflag:$0x3], $0x400, s28, s19, $0x38;
	[tilespmem:$0x10200] =	vst v63  }
0xc0: {  	s17 =	sadd.s32 $0x8E00, s6;
	s20 =	sadd.s32 $0xC0, s0  }
0xc1: {  	[hbm4b:s20+s19] =	stream.strided.scatter [tilespmem:s17], [sflag:$0x3], $0x400, s28, s19, $0x38;
	[tilespmem:$0x10200] =	vst v63  }
0xc2: {  	s17 =	sadd.s32 $0x9200, s6;
	s20 =	sadd.s32 $0x100, s0  }
0xc3: {  	[hbm4b:s20+s19] =	stream.strided.scatter [tilespmem:s17], [sflag:$0x3], $0x400, s28, s19, $0x38;
	[tilespmem:$0x10200] =	vst v63  }
0xc4: {  	s17 =	sadd.s32 $0x9600, s6;
	s20 =	sadd.s32 $0x140, s0  }
0xc5: {  	[hbm4b:s20+s19] =	stream.strided.scatter [tilespmem:s17], [sflag:$0x3], $0x400, s28, s19, $0x38;
	[tilespmem:$0x10200] =	vst v63  }
0xc6: {  	s17 =	sadd.s32 $0x9A00, s6;
	s20 =	sadd.s32 $0x180, s0  }
0xc7: {  	[hbm4b:s20+s19] =	stream.strided.scatter [tilespmem:s17], [sflag:$0x3], $0x400, s28, s19, $0x38;
	[tilespmem:$0x10200] =	vst v63  }
0xc8: {  	s17 =	sadd.s32 $0x9E00, s6;
	s20 =	sadd.s32 $0x1C0, s0  }
0xc9: {  	[hbm4b:s20+s19] =	stream.strided.scatter [tilespmem:s17], [sflag:$0x3], $0x400, s28, s19, $0x38;
	[tilespmem:$0x10200] =	vst v63  }
0xca: {  	s17 =	sadd.s32 $0xA200, s6;
	s20 =	sadd.s32 $0x200, s0  }
0xcb: {  	[hbm4b:s20+s19] =	stream.strided.scatter [tilespmem:s17], [sflag:$0x3], $0x400, s28, s19, $0x38;
	[tilespmem:$0x10200] =	vst v63  }
0xcc: {  	s17 =	sadd.s32 $0xA600, s6;
	s20 =	sadd.s32 $0x240, s0  }
0xcd: {  	[hbm4b:s20+s19] =	stream.strided.scatter [tilespmem:s17], [sflag:$0x3], $0x400, s28, s19, $0x38;
	[tilespmem:$0x10200] =	vst v63  }
0xce: {  	s17 =	sadd.s32 $0xAA00, s6;
	s20 =	sadd.s32 $0x280, s0  }
0xcf: {  	[hbm4b:s20+s19] =	stream.strided.scatter [tilespmem:s17], [sflag:$0x3], $0x400, s28, s19, $0x38;
	[tilespmem:$0x10200] =	vst v63  }
0xd0: {  	s17 =	sadd.s32 $0xAE00, s6;
	s20 =	sadd.s32 $0x2C0, s0  }
0xd1: {  	[hbm4b:s20+s19] =	stream.strided.scatter [tilespmem:s17], [sflag:$0x3], $0x400, s28, s19, $0x38;
	[tilespmem:$0x10200] =	vst v63  }
0xd2: {  	s17 =	sadd.s32 $0xB200, s6;
	s20 =	sadd.s32 $0x300, s0  }
0xd3: {  	[hbm4b:s20+s19] =	stream.strided.scatter [tilespmem:s17], [sflag:$0x3], $0x400, s28, s19, $0x38;
	[tilespmem:$0x10200] =	vst v63  }
0xd4: {  	p1 =	por p0, p0;
	s17 =	sadd.s32 $0xB600, s6;
	s20 =	sadd.s32 $0x340, s0  }
0xd5: {  	[hbm4b:s20+s19] =	stream.strided.scatter [tilespmem:s17], [sflag:$0x3], $0x400, s28, s19, $0x38;
	[tilespmem:$0x10200] =	vst v63  }
.Ltmp1:
0xd6: {  	s17 =	sadd.s32 $0xBA00, s6;
	s20 =	sadd.s32 $0x380, s0;
	(pc) =	sbr.rel @p1 .LBB2_5-.Ltmp1, $4  }
0xd7: {  	[hbm4b:s20+s19] =	stream.strided.scatter [tilespmem:s17], [sflag:$0x3], $0x400, s28, s19, $0x38;
	[tilespmem:$0x10200] =	vst v63  }
0xd8: {  	s6 =	sadd.s32 $0xBE00, s6;
	s0 =	sadd.s32 $0x3C0, s0  }
0xd9: {  	[hbm4b:s0+s19] =	stream.strided.scatter [tilespmem:s6], [sflag:$0x3], $0x400, s28, s19, $0x38;
	[tilespmem:$0x10200] =	vst v63  }
0xda: {  	p0 =	por $0x0, $0x0;
	s0 =	simm.s32 $0x1  }
0xdb: {  	_ =	swait.ge [sflag:s21], $0x8000  }
0xdc: {  	[sflag:s21] =	ssyncset.done $0x0  }
0xdd: {  	[sflag:s21] =	ssyncadd.s32 $0xFFFF8000  }
0xde: {  	v3 =	vld [tilespmem:s1+$0x30];
	_ =	sdelay $0x4  }
0xdf: {  	v4 =	vshll.u32 v3, $0x4  }
0xe0: {  	v3 =	vand.u32 $0x7, v3;
	v4 =	vand.u32 $0xFFFFFF80, v4  }
0xe1: {  	v3 =	vor.u32 v3, v4  }
0xe2: {  	v4 =	vperm.xlane v3, v0;
	_ =	sdelay $0x1  }
0xe3: {  	v4 =	vadd.s32 v1, v4;
	_ =	sdelay $0x3  }
0xe4: {  	s0 =	simm.s32 $0x8200  }
0xe5: {  	[tilespmem:s0], [sflag:$0x2] =	stream.indirect_vreg.gather [hbm4b:s2+s4], $0x80, v4, vm0, $0xb8;
	[tilespmem:$0x10200] =	vst v63  }
0xe6: {  	s20 =	simm.s32 $0x8A00  }
0xe7: {  	[tilespmem:s20], [sflag:$0x2] =	stream.indirect_vreg.gather [hbm4b:s7+s4], $0x80, v4, vm0, $0xb8;
	[tilespmem:$0x10200] =	vst v63  }
0xe8: {  	s31 =	simm.s32 $0x9200  }
0xe9: {  	[tilespmem:s31], [sflag:$0x2] =	stream.indirect_vreg.gather [hbm4b:s8+s4], $0x80, v4, vm0, $0xb8;
	[tilespmem:$0x10200] =	vst v63  }
0xea: {  	s1 =	simm.s32 $0x9A00  }
0xeb: {  	[tilespmem:s1], [sflag:$0x2] =	stream.indirect_vreg.gather [hbm4b:s9+s4], $0x80, v4, vm0, $0xb8;
	[tilespmem:$0x10200] =	vst v63  }
0xec: {  	s6 =	simm.s32 $0xA200  }
0xed: {  	[tilespmem:s6], [sflag:$0x2] =	stream.indirect_vreg.gather [hbm4b:s10+s4], $0x80, v4, vm0, $0xb8;
	[tilespmem:$0x10200] =	vst v63  }
0xee: {  	s17 =	simm.s32 $0xAA00;
	v3 =	vperm.xlane v3, v2  }
0xef: {  	[tilespmem:s17], [sflag:$0x2] =	stream.indirect_vreg.gather [hbm4b:s11+s4], $0x80, v4, vm0, $0xb8;
	[tilespmem:$0x10200] =	vst v63  }
0xf0: {  	v3 =	vadd.s32 v1, v3;
	s20 =	simm.s32 $0xB200  }
0xf1: {  	[tilespmem:s20], [sflag:$0x2] =	stream.indirect_vreg.gather [hbm4b:s12+s4], $0x80, v4, vm0, $0xb8;
	[tilespmem:$0x10200] =	vst v63  }
0xf2: {  	s31 =	simm.s32 $0xBA00  }
0xf3: {  	[tilespmem:s31], [sflag:$0x2] =	stream.indirect_vreg.gather [hbm4b:s13+s4], $0x80, v4, vm0, $0xb8;
	[tilespmem:$0x10200] =	vst v63  }
0xf4: {  	s1 =	simm.s32 $0xC200  }
0xf5: {  	[tilespmem:s1], [sflag:$0x2] =	stream.indirect_vreg.gather [hbm4b:s2+s4], $0x80, v3, vm0, $0xb8;
	[tilespmem:$0x10200] =	vst v63  }
0xf6: {  	s6 =	simm.s32 $0xCA00  }
0xf7: {  	[tilespmem:s6], [sflag:$0x2] =	stream.indirect_vreg.gather [hbm4b:s7+s4], $0x80, v3, vm0, $0xb8;
	[tilespmem:$0x10200] =	vst v63  }
0xf8: {  	s17 =	simm.s32 $0xD200  }
0xf9: {  	[tilespmem:s17], [sflag:$0x2] =	stream.indirect_vreg.gather [hbm4b:s8+s4], $0x80, v3, vm0, $0xb8;
	[tilespmem:$0x10200] =	vst v63  }
0xfa: {  	s20 =	simm.s32 $0xDA00  }
0xfb: {  	[tilespmem:s20], [sflag:$0x2] =	stream.indirect_vreg.gather [hbm4b:s9+s4], $0x80, v3, vm0, $0xb8;
	[tilespmem:$0x10200] =	vst v63  }
0xfc: {  	s30 =	sadd.s32 $0x1, s30;
	s31 =	simm.s32 $0xE200  }
0xfd: {  	[tilespmem:s31], [sflag:$0x2] =	stream.indirect_vreg.gather [hbm4b:s10+s4], $0x80, v3, vm0, $0xb8;
	[tilespmem:$0x10200] =	vst v63  }
0xfe: {  	p0 =	sne.s32 s30, $0xF  }
0xff: {  	[tilespmem:s23], [sflag:$0x2] =	stream.indirect_vreg.gather [hbm4b:s11+s4], $0x80, v3, vm0, $0xb8;
	[tilespmem:$0x10200] =	vst v63  }
.Ltmp2:
0x100: {  	_ = 	snop;
	(pc) =	sbr.rel @p0 .LBB2_2-.Ltmp2, $4  }
0x101: {  	_ = 	snop  }
0x102: {  	[tilespmem:s24], [sflag:$0x2] =	stream.indirect_vreg.gather [hbm4b:s12+s4], $0x80, v3, vm0, $0xb8;
	[tilespmem:$0x10200] =	vst v63  }
0x103: {  	_ = 	snop  }
0x104: {  	[tilespmem:s25], [sflag:$0x2] =	stream.indirect_vreg.gather [hbm4b:s13+s4], $0x80, v3, vm0, $0xb8;
	[tilespmem:$0x10200] =	vst v63  }
0x105: {  	_ =	swait.ge [sflag:s26], $0x8000  }
0x106: {  	[sflag:s26] =	ssyncset.done $0x0  }
0x107: {  	s0 =	simm.s32 $0x0;
	p0 =	por $0x1, $0x1;
	[sflag:s26] =	ssyncadd.s32 $0xFFFF8000  }
.LBB2_8:
0x108: {  	s1 =	sshll.u32 s0, $0xE  }
0x109: {  	s17 =	sshll.u32 s0, $0xD;
	s1 =	sand.u32 $0x3FFFC000, s1  }
0x10a: {  	s0 =	sadd.s32 s17, s15;
	s6 =	sor.u32 $0x200, s1  }
0x10b: {  	[hbm4b:s0+s19] =	stream.strided.scatter [tilespmem:s6], [sflag:$0x3], $0x400, s28, s19, $0x38;
	[tilespmem:$0x10200] =	vst v63  }
0x10c: {  	s20 =	sor.u32 $0x600, s1;
	s17 =	sadd.s32 $0x40, s0  }
0x10d: {  	[hbm4b:s17+s19] =	stream.strided.scatter [tilespmem:s20], [sflag:$0x3], $0x400, s28, s19, $0x38;
	[tilespmem:$0x10200] =	vst v63  }
0x10e: {  	s30 =	sor.u32 $0xA00, s1;
	s31 =	sadd.s32 $0x80, s0  }
0x10f: {  	[hbm4b:s31+s19] =	stream.strided.scatter [tilespmem:s30], [sflag:$0x3], $0x400, s28, s19, $0x38;
	[tilespmem:$0x10200] =	vst v63  }
0x110: {  	s17 =	sor.u32 $0xE00, s1;
	s20 =	sadd.s32 $0xC0, s0  }
0x111: {  	[hbm4b:s20+s19] =	stream.strided.scatter [tilespmem:s17], [sflag:$0x3], $0x400, s28, s19, $0x38;
	[tilespmem:$0x10200] =	vst v63  }
0x112: {  	s30 =	sor.u32 $0x1200, s1;
	s31 =	sadd.s32 $0x100, s0  }
0x113: {  	[hbm4b:s31+s19] =	stream.strided.scatter [tilespmem:s30], [sflag:$0x3], $0x400, s28, s19, $0x38;
	[tilespmem:$0x10200] =	vst v63  }
0x114: {  	s17 =	sor.u32 $0x1600, s1;
	s20 =	sadd.s32 $0x140, s0  }
0x115: {  	[hbm4b:s20+s19] =	stream.strided.scatter [tilespmem:s17], [sflag:$0x3], $0x400, s28, s19, $0x38;
	[tilespmem:$0x10200] =	vst v63  }
0x116: {  	s30 =	sor.u32 $0x1A00, s1;
	s31 =	sadd.s32 $0x180, s0  }
0x117: {  	[hbm4b:s31+s19] =	stream.strided.scatter [tilespmem:s30], [sflag:$0x3], $0x400, s28, s19, $0x38;
	[tilespmem:$0x10200] =	vst v63  }
0x118: {  	s17 =	sor.u32 $0x1E00, s1;
	s20 =	sadd.s32 $0x1C0, s0  }
0x119: {  	[hbm4b:s20+s19] =	stream.strided.scatter [tilespmem:s17], [sflag:$0x3], $0x400, s28, s19, $0x38;
	[tilespmem:$0x10200] =	vst v63  }
0x11a: {  	s30 =	sor.u32 $0x2200, s1;
	s31 =	sadd.s32 $0x200, s0  }
0x11b: {  	[hbm4b:s31+s19] =	stream.strided.scatter [tilespmem:s30], [sflag:$0x3], $0x400, s28, s19, $0x38;
	[tilespmem:$0x10200] =	vst v63  }
0x11c: {  	s17 =	sor.u32 $0x2600, s1;
	s20 =	sadd.s32 $0x240, s0  }
0x11d: {  	[hbm4b:s20+s19] =	stream.strided.scatter [tilespmem:s17], [sflag:$0x3], $0x400, s28, s19, $0x38;
	[tilespmem:$0x10200] =	vst v63  }
0x11e: {  	s30 =	sor.u32 $0x2A00, s1;
	s31 =	sadd.s32 $0x280, s0  }
0x11f: {  	[hbm4b:s31+s19] =	stream.strided.scatter [tilespmem:s30], [sflag:$0x3], $0x400, s28, s19, $0x38;
	[tilespmem:$0x10200] =	vst v63  }
0x120: {  	s17 =	sor.u32 $0x2E00, s1;
	s20 =	sadd.s32 $0x2C0, s0  }
0x121: {  	[hbm4b:s20+s19] =	stream.strided.scatter [tilespmem:s17], [sflag:$0x3], $0x400, s28, s19, $0x38;
	[tilespmem:$0x10200] =	vst v63  }
0x122: {  	s30 =	sor.u32 $0x3200, s1;
	s31 =	sadd.s32 $0x300, s0  }
0x123: {  	[hbm4b:s31+s19] =	stream.strided.scatter [tilespmem:s30], [sflag:$0x3], $0x400, s28, s19, $0x38;
	[tilespmem:$0x10200] =	vst v63  }
0x124: {  	p1 =	por p0, p0;
	s17 =	sor.u32 $0x3600, s1;
	s20 =	sadd.s32 $0x340, s0  }
0x125: {  	[hbm4b:s20+s19] =	stream.strided.scatter [tilespmem:s17], [sflag:$0x3], $0x400, s28, s19, $0x38;
	[tilespmem:$0x10200] =	vst v63  }
.Ltmp3:
0x126: {  	s30 =	sor.u32 $0x3A00, s1;
	s31 =	sadd.s32 $0x380, s0;
	(pc) =	sbr.rel @p1 .LBB2_8-.Ltmp3, $4  }
0x127: {  	[hbm4b:s31+s19] =	stream.strided.scatter [tilespmem:s30], [sflag:$0x3], $0x400, s28, s19, $0x38;
	[tilespmem:$0x10200] =	vst v63  }
0x128: {  	s1 =	sor.u32 $0x3E00, s1;
	s0 =	sadd.s32 $0x3C0, s0  }
0x129: {  	[hbm4b:s0+s19] =	stream.strided.scatter [tilespmem:s1], [sflag:$0x3], $0x400, s28, s19, $0x38;
	[tilespmem:$0x10200] =	vst v63  }
0x12a: {  	p0 =	por $0x0, $0x0;
	s0 =	simm.s32 $0x1  }
0x12b: {  	_ =	swait.ge [sflag:s21], $0x8000  }
0x12c: {  	[sflag:s21] =	ssyncset.done $0x0  }
0x12d: {  	[sflag:s21] =	ssyncadd.s32 $0xFFFF8000  }
0x12e: {  	_ =	swait.ge [sflag:s29], $0x8000  }
0x12f: {  	[sflag:s29] =	ssyncset.done $0x0  }
0x130: {  	s0 =	simm.s32 $0x0;
	p0 =	por $0x1, $0x1;
	[sflag:s29] =	ssyncadd.s32 $0xFFFF8000  }
.LBB2_10:
0x131: {  	s1 =	sshll.u32 s0, $0xE  }
0x132: {  	s17 =	sshll.u32 s0, $0xD;
	s1 =	sand.u32 $0x3FFFC000, s1  }
0x133: {  	s0 =	sadd.s32 s17, s16;
	s6 =	sadd.s32 $0x8200, s1  }
0x134: {  	[hbm4b:s0+s19] =	stream.strided.scatter [tilespmem:s6], [sflag:$0x3], $0x400, s28, s19, $0x38;
	[tilespmem:$0x10200] =	vst v63  }
0x135: {  	s20 =	sadd.s32 $0x8600, s1;
	s17 =	sadd.s32 $0x40, s0  }
0x136: {  	[hbm4b:s17+s19] =	stream.strided.scatter [tilespmem:s20], [sflag:$0x3], $0x400, s28, s19, $0x38;
	[tilespmem:$0x10200] =	vst v63  }
0x137: {  	s30 =	sadd.s32 $0x8A00, s1;
	s31 =	sadd.s32 $0x80, s0  }
0x138: {  	[hbm4b:s31+s19] =	stream.strided.scatter [tilespmem:s30], [sflag:$0x3], $0x400, s28, s19, $0x38;
	[tilespmem:$0x10200] =	vst v63  }
0x139: {  	s17 =	sadd.s32 $0x8E00, s1;
	s20 =	sadd.s32 $0xC0, s0  }
0x13a: {  	[hbm4b:s20+s19] =	stream.strided.scatter [tilespmem:s17], [sflag:$0x3], $0x400, s28, s19, $0x38;
	[tilespmem:$0x10200] =	vst v63  }
0x13b: {  	s30 =	sadd.s32 $0x9200, s1;
	s31 =	sadd.s32 $0x100, s0  }
0x13c: {  	[hbm4b:s31+s19] =	stream.strided.scatter [tilespmem:s30], [sflag:$0x3], $0x400, s28, s19, $0x38;
	[tilespmem:$0x10200] =	vst v63  }
0x13d: {  	s17 =	sadd.s32 $0x9600, s1;
	s20 =	sadd.s32 $0x140, s0  }
0x13e: {  	[hbm4b:s20+s19] =	stream.strided.scatter [tilespmem:s17], [sflag:$0x3], $0x400, s28, s19, $0x38;
	[tilespmem:$0x10200] =	vst v63  }
0x13f: {  	s30 =	sadd.s32 $0x9A00, s1;
	s31 =	sadd.s32 $0x180, s0  }
0x140: {  	[hbm4b:s31+s19] =	stream.strided.scatter [tilespmem:s30], [sflag:$0x3], $0x400, s28, s19, $0x38;
	[tilespmem:$0x10200] =	vst v63  }
0x141: {  	s17 =	sadd.s32 $0x9E00, s1;
	s20 =	sadd.s32 $0x1C0, s0  }
0x142: {  	[hbm4b:s20+s19] =	stream.strided.scatter [tilespmem:s17], [sflag:$0x3], $0x400, s28, s19, $0x38;
	[tilespmem:$0x10200] =	vst v63  }
0x143: {  	s30 =	sadd.s32 $0xA200, s1;
	s31 =	sadd.s32 $0x200, s0  }
0x144: {  	[hbm4b:s31+s19] =	stream.strided.scatter [tilespmem:s30], [sflag:$0x3], $0x400, s28, s19, $0x38;
	[tilespmem:$0x10200] =	vst v63  }
0x145: {  	s17 =	sadd.s32 $0xA600, s1;
	s20 =	sadd.s32 $0x240, s0  }
0x146: {  	[hbm4b:s20+s19] =	stream.strided.scatter [tilespmem:s17], [sflag:$0x3], $0x400, s28, s19, $0x38;
	[tilespmem:$0x10200] =	vst v63  }
0x147: {  	s30 =	sadd.s32 $0xAA00, s1;
	s31 =	sadd.s32 $0x280, s0  }
0x148: {  	[hbm4b:s31+s19] =	stream.strided.scatter [tilespmem:s30], [sflag:$0x3], $0x400, s28, s19, $0x38;
	[tilespmem:$0x10200] =	vst v63  }
0x149: {  	s17 =	sadd.s32 $0xAE00, s1;
	s20 =	sadd.s32 $0x2C0, s0  }
0x14a: {  	[hbm4b:s20+s19] =	stream.strided.scatter [tilespmem:s17], [sflag:$0x3], $0x400, s28, s19, $0x38;
	[tilespmem:$0x10200] =	vst v63  }
0x14b: {  	s30 =	sadd.s32 $0xB200, s1;
	s31 =	sadd.s32 $0x300, s0  }
0x14c: {  	[hbm4b:s31+s19] =	stream.strided.scatter [tilespmem:s30], [sflag:$0x3], $0x400, s28, s19, $0x38;
	[tilespmem:$0x10200] =	vst v63  }
0x14d: {  	p1 =	por p0, p0;
	s17 =	sadd.s32 $0xB600, s1;
	s20 =	sadd.s32 $0x340, s0  }
0x14e: {  	[hbm4b:s20+s19] =	stream.strided.scatter [tilespmem:s17], [sflag:$0x3], $0x400, s28, s19, $0x38;
	[tilespmem:$0x10200] =	vst v63  }
.Ltmp4:
0x14f: {  	s30 =	sadd.s32 $0xBA00, s1;
	s31 =	sadd.s32 $0x380, s0;
	(pc) =	sbr.rel @p1 .LBB2_10-.Ltmp4, $4  }
0x150: {  	[hbm4b:s31+s19] =	stream.strided.scatter [tilespmem:s30], [sflag:$0x3], $0x400, s28, s19, $0x38;
	[tilespmem:$0x10200] =	vst v63  }
0x151: {  	s1 =	sadd.s32 $0xBE00, s1;
	s0 =	sadd.s32 $0x3C0, s0  }
0x152: {  	[hbm4b:s0+s19] =	stream.strided.scatter [tilespmem:s1], [sflag:$0x3], $0x400, s28, s19, $0x38;
	[tilespmem:$0x10200] =	vst v63  }
0x153: {  	p0 =	por $0x0, $0x0;
	s0 =	simm.s32 $0x1  }
0x154: {  	_ =	swait.ge [sflag:s21], $0x8000  }
0x155: {  	s1 =	rddreg [dreg:$0x6]  }
0x156: {  	s0 =	rddreg [dreg:$0x5];
	s1 =	sadd.s32 $0x1, s1  }
0x157: {  	p0 =	sne.s32 s1, s0  }
.Ltmp5:
0x158: {  	_ = 	snop;
	(pc) =	sbr.rel @p0 .LBB2_1-.Ltmp5, $3  }
0x159: {  	_ =	sdelay $0x1  }
0x15a: {  	[sflag:s21] =	ssyncset.done $0x0  }
0x15b: {  	[sflag:s21] =	ssyncadd.s32 $0xFFFF8000  }
0x15c: {  	_ =	sfence.sel $0x180000  }
0x15d: {  	[bflag:$0x0] =	sbarrier.arrive $0xFFFF  }
0x15e: {  	_ =	strace $0x90000047  }
0x15f: {  	s0 =	stileid.u32;
	[bflag:$0x2] =	sbarrier.arrive $0xFFFF  }
0x160: {  	p0 =	sne.s32 s0, $0x0;
	s0 =	rddreg [dreg:$0x3]  }
0x161: {  	s0 =	sadd.s32 @!p0 $0x100000, s0  }
0x162: {  	[sflag:s0] =	ssyncadd.tile.s32 @!p0 $0x1;
	_ =	shalt  }
.Lfunc_end2:
_tile_overlayer_lowered:
.L_overlay_start_2:
0x163: {  	(tag) =	ssettag $0x2  }
0x164: {  	s0 =	rddreg [dreg:$0x0];
	s2 =	stileid.u32  }
0x165: {  	s1 =	rddreg [dreg:$0x1];
	p0 =	sne.s32 s2, $0x0  }
0x166: {  	s3 =	rddreg [dreg:$0x2];
	[bflag:$0x3] =	sbarrier.arrive $0xFFFF;
	s2 =	simm.s32 @!p0 $0x1C03  }
0x167: {  	[timem:s3], [sflag:s2] =	dma.local @!p0 [hbm:s0], s1  }
0x168: {  	s0 =	simm.s32 @!p0 $0x3  }
0x169: {  	_ =	swait.ge @!p0 [sflag:s0], s1  }
0x16a: {  	s1 =	ssub.s32 @!p0 $0x0, s1;
	[sflag:s0] =	ssyncset.done @!p0 $0x0  }
0x16b: {  	[sflag:s0] =	ssyncadd.s32 @!p0 s1  }
0x16c: {  	[bflag:$0x3] =	sbarrier.arrive $0xFFFF  }
0x16d: {  	_ =	shalt  }

</sc_bundles>
